<compile_context>
chip_gen: v7x
topology: tpu7x:2x2x1
jax: 0.10.2.dev20260603
libtpu: 0.0.44.dev20260713+nightly
codegen_flags: <defaults>
</compile_context>

<pallas_src>
import functools

import jax
import jax.numpy as jnp
from jax import lax
from jax.experimental import pallas as pl
from jax.experimental.pallas import tpu as pltpu
from jax.experimental.pallas import tpu_sc as plsc

_VOCAB = 30522
_D = 768
_P = 128
_S = 512
_B = 16
_MAXD = 8
_RANKING_WEIGHT = 1.0
_PRUNING_WEIGHT = 0.5

_VP = 30720
_BLK = 512
_TW = 16

_NC = 2
_NS = 16
_L = 16
_NW = _NC * _NS
_TOK = _P * _S
_TPW = _TOK // _NW
_RPW = _TPW // 128
_PPW = _P // _NW
_GRP = _S // _L


def _table_body(e_ref, w_ref, benc_ref, wc_ref, bc_ref, out_ref):
    h = jnp.tanh(
        jnp.dot(e_ref[...], w_ref[...], preferred_element_type=jnp.float32)
        + benc_ref[...]
    )
    m = jnp.dot(h, wc_ref[...], preferred_element_type=jnp.float32) + bc_ref[...]
    r = m[:, 0:1]
    p0 = m[:, 1:2]
    p1 = m[:, 2:3]
    lse = jnp.maximum(p0, p1) + jnp.log1p(jnp.exp(-jnp.abs(p0 - p1)))
    ce0 = lse - p0
    dce = p0 - p1
    lane = lax.broadcasted_iota(jnp.int32, (_BLK, _TW), 1)
    out = jnp.where(lane == 0, jnp.broadcast_to(r, (_BLK, _TW)), 0.0)
    out = jnp.where(lane == 1, jnp.broadcast_to(ce0, (_BLK, _TW)), out)
    out = jnp.where(lane == 2, jnp.broadcast_to(dce, (_BLK, _TW)), out)
    out_ref[...] = out


def _build_table(embp, W_enc, b_enc2, W_comb, b_comb2):
    return pl.pallas_call(
        _table_body,
        grid=(_VP // _BLK,),
        in_specs=[
            pl.BlockSpec((_BLK, _D), lambda i: (i, 0)),
            pl.BlockSpec((_D, _D), lambda i: (0, 0)),
            pl.BlockSpec((1, _D), lambda i: (0, 0)),
            pl.BlockSpec((_D, 128), lambda i: (0, 0)),
            pl.BlockSpec((1, 128), lambda i: (0, 0)),
        ],
        out_specs=pl.BlockSpec((_BLK, _TW), lambda i: (i, 0)),
        out_shape=jax.ShapeDtypeStruct((_VP, _TW), jnp.float32),
    )(embp, W_enc, b_enc2, W_comb, b_comb2)


@functools.partial(
    pl.kernel,
    out_type=jax.ShapeDtypeStruct((_NW, _TW), jnp.float32),
    mesh=plsc.VectorSubcoreMesh(core_axis_name="c", subcore_axis_name="s"),
    compiler_params=pltpu.CompilerParams(needs_layout_passes=False),
    scratch_types=[
        pltpu.VMEM((_VP,), jnp.float32),
        pltpu.VMEM((_VP,), jnp.float32),
        pltpu.VMEM((_VP,), jnp.float32),
        pltpu.VMEM((_TPW,), jnp.int32),
        pltpu.VMEM((_TPW,), jnp.int32),
        pltpu.VMEM((_TPW,), jnp.int32),
        pltpu.VMEM((_L,), jnp.float32),
        pltpu.SemaphoreType.DMA,
    ],
)
def _sc_gather(rtab_hbm, ctab_hbm, dtab_hbm, ids_hbm, lab_hbm, msk_hbm,
               out_hbm, rtab_v, ctab_v, dtab_v, ids_v, lab_v, msk_v,
               outv, sem):
    wid = lax.axis_index("s") * _NC + lax.axis_index("c")

    pltpu.sync_copy(rtab_hbm, rtab_v)
    pltpu.sync_copy(ctab_hbm, ctab_v)
    pltpu.sync_copy(dtab_hbm, dtab_v)
    pltpu.sync_copy(ids_hbm.at[pl.ds(wid * _TPW, _TPW)], ids_v)
    pltpu.sync_copy(lab_hbm.at[pl.ds(wid * _TPW, _TPW)], lab_v)
    pltpu.sync_copy(msk_hbm.at[pl.ds(wid * _TPW, _TPW)], msk_v)

    lane = lax.iota(jnp.int32, _L)
    z16 = jnp.zeros((_L,), jnp.float32)
    ce_acc = z16
    am_acc = z16
    out16 = z16

    for p in range(_PPW):
        def body(g, carry, p=p):
            accr, accm, acce, acca = carry
            t0 = p * _S + g * _L
            idx16 = ids_v[pl.ds(t0, _L)]
            r16 = plsc.load_gather(rtab_v, [idx16])
            ce16 = plsc.load_gather(ctab_v, [idx16])
            d16 = plsc.load_gather(dtab_v, [idx16])
            labf = lab_v[pl.ds(t0, _L)].astype(jnp.float32)
            mraw = msk_v[pl.ds(t0, _L)]
            mf = mraw.astype(jnp.float32)
            am = (mraw == 1).astype(jnp.float32)
            accr = accr + r16 * mf
            accm = accm + mf
            acce = acce + (ce16 + d16 * labf) * am
            acca = acca + am
            return accr, accm, acce, acca

        accr, accm, ce_acc, am_acc = lax.fori_loop(
            0, _GRP, body, (z16, z16, ce_acc, am_acc))
        out16 = jnp.where(lane == p, jnp.sum(accr), out16)
        out16 = jnp.where(lane == _PPW + p, jnp.sum(accm), out16)

    out16 = jnp.where(lane == 8, jnp.sum(ce_acc), out16)
    out16 = jnp.where(lane == 9, jnp.sum(am_acc), out16)
    outv[...] = out16
    pltpu.sync_copy(outv, out_hbm.at[wid])


def _final_body(part_ref, y_ref, br_ref, out_ref):
    part = part_ref[...]
    r = part[:, 0:_PPW]
    m = part[:, _PPW:2 * _PPW]
    z = r / jnp.maximum(m, 1.0) + br_ref[0, 0]
    y = y_ref[...]
    maskf = (y != -100.0).astype(jnp.float32)
    bce = jnp.maximum(z, 0.0) - z * y + jnp.log1p(jnp.exp(-jnp.abs(z)))
    rank_loss = jnp.sum(bce * maskf) / jnp.maximum(jnp.sum(maskf), 1.0)
    ce_tot = jnp.sum(part[:, 8:9])
    am_tot = jnp.sum(part[:, 9:10])
    prune_loss = ce_tot / jnp.maximum(am_tot, 1.0)
    total = _RANKING_WEIGHT * rank_loss + _PRUNING_WEIGHT * prune_loss
    out_ref[...] = jnp.reshape(total, (1, 1))


def _finalize(partials, y32, brank2):
    return pl.pallas_call(
        _final_body,
        out_shape=jax.ShapeDtypeStruct((1, 1), jnp.float32),
    )(partials, y32, brank2)


def kernel(input_ids, attention_mask, ranking_labels, pruning_labels,
           batch_indices, doc_indices, emb_table, W_enc, b_enc,
           w_rank, b_rank, W_prune, b_prune):
    f32 = jnp.float32
    embp = jnp.pad(emb_table, ((0, _VP - _VOCAB), (0, 0)))
    W_comb = (
        jnp.zeros((_D, 128), f32)
        .at[:, 0:1].set(w_rank.astype(f32))
        .at[:, 1:3].set(W_prune.astype(f32))
    )
    b_comb2 = jnp.zeros((1, 128), f32).at[0, 1:3].set(b_prune.astype(f32))
    b_enc2 = b_enc.astype(f32).reshape(1, _D)

    table = _build_table(embp.astype(f32), W_enc.astype(f32), b_enc2,
                         W_comb, b_comb2)

    rtab = table[:, 0]
    ctab = table[:, 1]
    dtab = table[:, 2]
    partials = _sc_gather(rtab, ctab, dtab,
                          input_ids.reshape(_TOK),
                          pruning_labels.reshape(_TOK),
                          attention_mask.reshape(_TOK))

    flat_slot = batch_indices * _MAXD + doc_indices
    y32 = ranking_labels.reshape(_P)[flat_slot].reshape(_NW, _PPW)
    out = _finalize(partials, y32, b_rank.astype(f32).reshape(1, 1))
    return out[0, 0]

# --- scband reference (transcript-rebuilt; emitter-appended) ---
"""Pipeline reference for scband-provence-batched-loss-18339510354169 (READ-ONLY COPY).

The authoritative reference and input builder live on the scoring server;
editing this copy changes nothing except your own understanding.
"""

import jax, jax.numpy as jnp
import numpy as np

VOCAB = 30522
D = 768
P = 128   # num query-doc pairs
S = 512   # seq len
B = 16    # num queries
MAXD = 8  # docs per query
RANKING_WEIGHT = 1.0
PRUNING_WEIGHT = 0.5


def setup_inputs(seed: int = 0) -> dict:
    key = jax.random.key(seed)
    ks = jax.random.split(key, 8)
    input_ids = jax.random.randint(ks[0], (P, S), 0, VOCAB, dtype=jnp.int32)
    attention_mask = jnp.ones((P, S), dtype=jnp.int32)
    ranking_labels = (jax.random.uniform(ks[1], (B, MAXD)) > 0.5).astype(jnp.float32)
    pruning_labels = jax.random.randint(ks[2], (P, S), 0, 2, dtype=jnp.int32)
    # structured pair -> (batch, doc) mapping: pair i belongs to query i//MAXD, doc slot i%MAXD
    batch_indices = jnp.arange(P, dtype=jnp.int32) // MAXD
    doc_indices = jnp.arange(P, dtype=jnp.int32) % MAXD
    # stub ProvenceEncoder params
    emb_table = jax.random.normal(ks[3], (VOCAB, D), dtype=jnp.float32) * 0.02
    W_enc = jax.random.normal(ks[4], (D, D), dtype=jnp.float32) * 0.02
    b_enc = jnp.zeros((D,), dtype=jnp.float32)
    w_rank = jax.random.normal(ks[5], (D, 1), dtype=jnp.float32) * 0.02
    b_rank = jnp.zeros((1,), dtype=jnp.float32)
    W_prune = jax.random.normal(ks[6], (D, 2), dtype=jnp.float32) * 0.02
    b_prune = jnp.zeros((2,), dtype=jnp.float32)
    return {
        'input_ids': input_ids,
        'attention_mask': attention_mask,
        'ranking_labels': ranking_labels,
        'pruning_labels': pruning_labels,
        'batch_indices': batch_indices,
        'doc_indices': doc_indices,
        'emb_table': emb_table,
        'W_enc': W_enc,
        'b_enc': b_enc,
        'w_rank': w_rank,
        'b_rank': b_rank,
        'W_prune': W_prune,
        'b_prune': b_prune,
    }


def reference(input_ids, attention_mask, ranking_labels, pruning_labels,
              batch_indices, doc_indices, emb_table, W_enc, b_enc,
              w_rank, b_rank, W_prune, b_prune):
    # --- stub ProvenceEncoder forward ---
    h = jnp.take(emb_table, input_ids, axis=0)            # [P, S, D] gather
    h = jnp.tanh(h @ W_enc + b_enc)                       # [P, S, D]
    pruning_logits = h @ W_prune + b_prune                # [P, S, 2]
    m = attention_mask.astype(h.dtype)[..., None]         # [P, S, 1]
    pooled = (h * m).sum(axis=1) / jnp.maximum(m.sum(axis=1), 1.0)  # [P, D]
    ranking_logits = (pooled @ w_rank + b_rank)[:, 0]     # [P]

    # --- ranking loss (_compute_ranking_loss) ---
    logits_matrix = jnp.full((B, MAXD), -10000.0, dtype=ranking_logits.dtype)
    logits_matrix = logits_matrix.at[batch_indices, doc_indices].set(ranking_logits)
    mask = ranking_labels != -100.0  # all True here
    z = logits_matrix
    y = ranking_labels
    # BCEWithLogitsLoss, numerically stable
    bce = jnp.maximum(z, 0.0) - z * y + jnp.log1p(jnp.exp(-jnp.abs(z)))
    maskf = mask.astype(bce.dtype)
    ranking_loss = (bce * maskf).sum() / jnp.maximum(maskf.sum(), 1.0)

    # --- pruning loss (_compute_pruning_loss) ---
    flat_logits = pruning_logits.reshape(-1, 2)           # [P*S, 2]
    flat_labels = pruning_labels.reshape(-1)              # [P*S]
    logp = jax.nn.log_softmax(flat_logits, axis=-1)
    tok_ce = -jnp.take_along_axis(logp, flat_labels[:, None], axis=1)[:, 0]
    am = (attention_mask.reshape(-1) == 1).astype(tok_ce.dtype)
    pruning_loss = (tok_ce * am).sum() / jnp.maximum(am.sum(), 1.0)

    total_loss = RANKING_WEIGHT * ranking_loss + PRUNING_WEIGHT * pruning_loss
    return total_loss

if __name__ == "__main__":
    import jax
    _d = setup_inputs()
    print(jax.jit(kernel)(*tuple(_d.values())))

</pallas_src>

<mosaic_0001>
#map = affine_map<(d0, d1) -> (0)>
#map1 = affine_map<(d0, d1) -> (0, 0)>
module attributes {stable_mosaic.version = 14 : i64} {
  func.func @_sc_gather(%arg0: i32, %arg1: i32, %arg2: memref<30720xf32, #tpu.memory_space<hbm>>, %arg3: memref<30720xf32, #tpu.memory_space<hbm>>, %arg4: memref<30720xf32, #tpu.memory_space<hbm>>, %arg5: memref<65536xi32, #tpu.memory_space<hbm>>, %arg6: memref<65536xi32, #tpu.memory_space<hbm>>, %arg7: memref<65536xi32, #tpu.memory_space<hbm>>, %arg8: memref<32x16xf32, #tpu.memory_space<hbm>>, %arg9: memref<30720xf32, #tpu.memory_space<vmem>>, %arg10: memref<30720xf32, #tpu.memory_space<vmem>>, %arg11: memref<30720xf32, #tpu.memory_space<vmem>>, %arg12: memref<2048xi32, #tpu.memory_space<vmem>>, %arg13: memref<2048xi32, #tpu.memory_space<vmem>>, %arg14: memref<2048xi32, #tpu.memory_space<vmem>>, %arg15: memref<16xf32, #tpu.memory_space<vmem>>, %arg16: memref<!tpu.dma_semaphore, #tpu.memory_space<semaphore_mem>>) attributes {dimension_semantics = [#tpu.dimension_semantics<core_parallel>, #tpu.dimension_semantics<subcore_parallel>], iteration_bounds = array<i64: 2, 16>, scalar_prefetch = 0 : i64, scratch_operands = 8 : i64, tpu.core_type = #tpu.core_type<sc_vector_subcore>, window_params = [{transform_indices = #map}, {transform_indices = #map}, {transform_indices = #map}, {transform_indices = #map}, {transform_indices = #map}, {transform_indices = #map}, {transform_indices = #map1}]} {
    %mul3A = arith.constant 2 : i32
    %mul3A_0 = arith.muli %arg1, %mul3A : i32
    %add3A = arith.addi %mul3A_0, %arg0 : i32
    "tpu.region"() ({
      %run_scoped3A = tpu.sem_alloc : memref<!tpu.dma_semaphore, #tpu.memory_space<semaphore_mem>>
      tpu.enqueue_dma source(%arg2 : memref<30720xf32, #tpu.memory_space<hbm>>) target(%arg9 : memref<30720xf32, #tpu.memory_space<vmem>>) target_semaphore(%run_scoped3A : memref<!tpu.dma_semaphore, #tpu.memory_space<semaphore_mem>>)
      tpu.wait_dma2 semaphore(%run_scoped3A : memref<!tpu.dma_semaphore, #tpu.memory_space<semaphore_mem>>) src(%arg2 : memref<30720xf32, #tpu.memory_space<hbm>>) dst(%arg9 : memref<30720xf32, #tpu.memory_space<vmem>>)
      tpu.yield
    }) : () -> ()
    "tpu.region"() ({
      %run_scoped3A = tpu.sem_alloc : memref<!tpu.dma_semaphore, #tpu.memory_space<semaphore_mem>>
      tpu.enqueue_dma source(%arg3 : memref<30720xf32, #tpu.memory_space<hbm>>) target(%arg10 : memref<30720xf32, #tpu.memory_space<vmem>>) target_semaphore(%run_scoped3A : memref<!tpu.dma_semaphore, #tpu.memory_space<semaphore_mem>>)
      tpu.wait_dma2 semaphore(%run_scoped3A : memref<!tpu.dma_semaphore, #tpu.memory_space<semaphore_mem>>) src(%arg3 : memref<30720xf32, #tpu.memory_space<hbm>>) dst(%arg10 : memref<30720xf32, #tpu.memory_space<vmem>>)
      tpu.yield
    }) : () -> ()
    "tpu.region"() ({
      %run_scoped3A = tpu.sem_alloc : memref<!tpu.dma_semaphore, #tpu.memory_space<semaphore_mem>>
      tpu.enqueue_dma source(%arg4 : memref<30720xf32, #tpu.memory_space<hbm>>) target(%arg11 : memref<30720xf32, #tpu.memory_space<vmem>>) target_semaphore(%run_scoped3A : memref<!tpu.dma_semaphore, #tpu.memory_space<semaphore_mem>>)
      tpu.wait_dma2 semaphore(%run_scoped3A : memref<!tpu.dma_semaphore, #tpu.memory_space<semaphore_mem>>) src(%arg4 : memref<30720xf32, #tpu.memory_space<hbm>>) dst(%arg11 : memref<30720xf32, #tpu.memory_space<vmem>>)
      tpu.yield
    }) : () -> ()
    %mul3A_1 = arith.constant 2048 : i32
    %mul3A_2 = arith.muli %add3A, %mul3A_1 : i32
    "tpu.region"() ({
      %run_scoped3A = tpu.sem_alloc : memref<!tpu.dma_semaphore, #tpu.memory_space<semaphore_mem>>
      %dma_start3A = tpu.memref_slice %arg5[%mul3A_2] : memref<65536xi32, #tpu.memory_space<hbm>> -> memref<2048xi32, #tpu.memory_space<hbm>>
      %dma_start3A_119 = tpu.memref_slice %arg5[%mul3A_2] : memref<65536xi32, #tpu.memory_space<hbm>> -> memref<2048xi32, #tpu.memory_space<hbm>>
      tpu.enqueue_dma source(%dma_start3A_119 : memref<2048xi32, #tpu.memory_space<hbm>>) target(%arg12 : memref<2048xi32, #tpu.memory_space<vmem>>) target_semaphore(%run_scoped3A : memref<!tpu.dma_semaphore, #tpu.memory_space<semaphore_mem>>)
      %dma_wait3A = tpu.memref_slice %arg5[%mul3A_2] : memref<65536xi32, #tpu.memory_space<hbm>> -> memref<2048xi32, #tpu.memory_space<hbm>>
      %dma_wait3A_120 = tpu.memref_slice %arg5[%mul3A_2] : memref<65536xi32, #tpu.memory_space<hbm>> -> memref<2048xi32, #tpu.memory_space<hbm>>
      tpu.wait_dma2 semaphore(%run_scoped3A : memref<!tpu.dma_semaphore, #tpu.memory_space<semaphore_mem>>) src(%dma_wait3A_120 : memref<2048xi32, #tpu.memory_space<hbm>>) dst(%arg12 : memref<2048xi32, #tpu.memory_space<vmem>>)
      tpu.yield
    }) : () -> ()
    %mul3A_3 = arith.constant 2048 : i32
    %mul3A_4 = arith.muli %add3A, %mul3A_3 : i32
    "tpu.region"() ({
      %run_scoped3A = tpu.sem_alloc : memref<!tpu.dma_semaphore, #tpu.memory_space<semaphore_mem>>
      %dma_start3A = tpu.memref_slice %arg6[%mul3A_4] : memref<65536xi32, #tpu.memory_space<hbm>> -> memref<2048xi32, #tpu.memory_space<hbm>>
      %dma_start3A_119 = tpu.memref_slice %arg6[%mul3A_4] : memref<65536xi32, #tpu.memory_space<hbm>> -> memref<2048xi32, #tpu.memory_space<hbm>>
      tpu.enqueue_dma source(%dma_start3A_119 : memref<2048xi32, #tpu.memory_space<hbm>>) target(%arg13 : memref<2048xi32, #tpu.memory_space<vmem>>) target_semaphore(%run_scoped3A : memref<!tpu.dma_semaphore, #tpu.memory_space<semaphore_mem>>)
      %dma_wait3A = tpu.memref_slice %arg6[%mul3A_4] : memref<65536xi32, #tpu.memory_space<hbm>> -> memref<2048xi32, #tpu.memory_space<hbm>>
      %dma_wait3A_120 = tpu.memref_slice %arg6[%mul3A_4] : memref<65536xi32, #tpu.memory_space<hbm>> -> memref<2048xi32, #tpu.memory_space<hbm>>
      tpu.wait_dma2 semaphore(%run_scoped3A : memref<!tpu.dma_semaphore, #tpu.memory_space<semaphore_mem>>) src(%dma_wait3A_120 : memref<2048xi32, #tpu.memory_space<hbm>>) dst(%arg13 : memref<2048xi32, #tpu.memory_space<vmem>>)
      tpu.yield
    }) : () -> ()
    %mul3A_5 = arith.constant 2048 : i32
    %mul3A_6 = arith.muli %add3A, %mul3A_5 : i32
    "tpu.region"() ({
      %run_scoped3A = tpu.sem_alloc : memref<!tpu.dma_semaphore, #tpu.memory_space<semaphore_mem>>
      %dma_start3A = tpu.memref_slice %arg7[%mul3A_6] : memref<65536xi32, #tpu.memory_space<hbm>> -> memref<2048xi32, #tpu.memory_space<hbm>>
      %dma_start3A_119 = tpu.memref_slice %arg7[%mul3A_6] : memref<65536xi32, #tpu.memory_space<hbm>> -> memref<2048xi32, #tpu.memory_space<hbm>>
      tpu.enqueue_dma source(%dma_start3A_119 : memref<2048xi32, #tpu.memory_space<hbm>>) target(%arg14 : memref<2048xi32, #tpu.memory_space<vmem>>) target_semaphore(%run_scoped3A : memref<!tpu.dma_semaphore, #tpu.memory_space<semaphore_mem>>)
      %dma_wait3A = tpu.memref_slice %arg7[%mul3A_6] : memref<65536xi32, #tpu.memory_space<hbm>> -> memref<2048xi32, #tpu.memory_space<hbm>>
      %dma_wait3A_120 = tpu.memref_slice %arg7[%mul3A_6] : memref<65536xi32, #tpu.memory_space<hbm>> -> memref<2048xi32, #tpu.memory_space<hbm>>
      tpu.wait_dma2 semaphore(%run_scoped3A : memref<!tpu.dma_semaphore, #tpu.memory_space<semaphore_mem>>) src(%dma_wait3A_120 : memref<2048xi32, #tpu.memory_space<hbm>>) dst(%arg14 : memref<2048xi32, #tpu.memory_space<vmem>>)
      tpu.yield
    }) : () -> ()
    %iota3A = tpu.iota {dimensions = array<i32: 0>} : vector<16xi32>
    %broadcast_in_dim3A = arith.constant 0.000000e+00 : f32
    %broadcast_in_dim3A_7 = vector.broadcast %broadcast_in_dim3A : f32 to vector<16xf32>
    %scan3A = arith.constant 0 : i32
    %scan3A_8 = arith.constant 32 : i32
    %scan3A_9 = arith.addi %scan3A, %scan3A_8 : i32
    %scan3A_10 = arith.constant 1 : i32
    %scan3A_11:4 = scf.for %scan3A_119 = %scan3A to %scan3A_9 step %scan3A_10 iter_args(%scan3A_120 = %broadcast_in_dim3A_7, %scan3A_121 = %broadcast_in_dim3A_7, %scan3A_122 = %broadcast_in_dim3A_7, %scan3A_123 = %broadcast_in_dim3A_7) -> (vector<16xf32>, vector<16xf32>, vector<16xf32>, vector<16xf32>)  : i32 {
      %mul3A_124 = arith.constant 16 : i32
      %mul3A_125 = arith.muli %scan3A_119, %mul3A_124 : i32
      %add3A_126 = arith.constant 0 : i32
      %add3A_127 = arith.addi %add3A_126, %mul3A_125 : i32
      %get3A = arith.index_cast %add3A_127 : i32 to index
      %get3A_128 = tpu.vector_load %arg12[%get3A] {strides = array<i32>} : memref<2048xi32, #tpu.memory_space<vmem>>, vector<16xi32>,
      %gather3A = tpu.vector_load_idx %arg9[%get3A_128] : memref<30720xf32, #tpu.memory_space<vmem>>[vector<16xi32>], vector<16xf32>,
      %gather3A_129 = tpu.vector_load_idx %arg10[%get3A_128] : memref<30720xf32, #tpu.memory_space<vmem>>[vector<16xi32>], vector<16xf32>,
      %gather3A_130 = tpu.vector_load_idx %arg11[%get3A_128] : memref<30720xf32, #tpu.memory_space<vmem>>[vector<16xi32>], vector<16xf32>,
      %get3A_131 = arith.index_cast %add3A_127 : i32 to index
      %get3A_132 = tpu.vector_load %arg13[%get3A_131] {strides = array<i32>} : memref<2048xi32, #tpu.memory_space<vmem>>, vector<16xi32>,
      %convert_element_type3A = arith.sitofp %get3A_132 : vector<16xi32> to vector<16xf32>
      %get3A_133 = arith.index_cast %add3A_127 : i32 to index
      %get3A_134 = tpu.vector_load %arg14[%get3A_133] {strides = array<i32>} : memref<2048xi32, #tpu.memory_space<vmem>>, vector<16xi32>,
      %convert_element_type3A_135 = arith.sitofp %get3A_134 : vector<16xi32> to vector<16xf32>
      %eq3A_136 = arith.constant 1 : i32
      %eq3A_137 = vector.broadcast %eq3A_136 : i32 to vector<16xi32>
      %eq3A_138 = arith.cmpi eq, %get3A_134, %eq3A_137 : vector<16xi32>
      %convert_element_type3A_139 = arith.extui %eq3A_138 : vector<16xi1> to vector<16xi32>
      %convert_element_type3A_140 = arith.sitofp %convert_element_type3A_139 : vector<16xi32> to vector<16xf32>
      %mul3A_141 = arith.mulf %gather3A, %convert_element_type3A_135 : vector<16xf32>
      %add3A_142 = arith.addf %scan3A_120, %mul3A_141 : vector<16xf32>
      %add3A_143 = arith.addf %scan3A_121, %convert_element_type3A_135 : vector<16xf32>
      %mul3A_144 = arith.mulf %gather3A_130, %convert_element_type3A : vector<16xf32>
      %add3A_145 = arith.addf %gather3A_129, %mul3A_144 : vector<16xf32>
      %mul3A_146 = arith.mulf %add3A_145, %convert_element_type3A_140 : vector<16xf32>
      %add3A_147 = arith.addf %scan3A_122, %mul3A_146 : vector<16xf32>
      %add3A_148 = arith.addf %scan3A_123, %convert_element_type3A_140 : vector<16xf32>
      scf.yield %add3A_142, %add3A_143, %add3A_147, %add3A_148 : vector<16xf32>, vector<16xf32>, vector<16xf32>, vector<16xf32>
    }
    %scan3A_12 = arith.constant 32 : i32
    %eq3A = arith.constant 0 : i32
    %eq3A_13 = vector.broadcast %eq3A : i32 to vector<16xi32>
    %eq3A_14 = arith.cmpi eq, %iota3A, %eq3A_13 : vector<16xi32>
    %reduce_sum3A = arith.constant true
    %reduce_sum3A_15 = vector.broadcast %reduce_sum3A : i1 to vector<16xi1>
    %reduce_sum3A_16 = tpu.scan <sum>, %scan3A_11#0 masked %reduce_sum3A_15 : vector<16xf32>, vector<16xi1> -> vector<16xf32>
    %reduce_sum3A_17 = vector.extract %reduce_sum3A_16[15] : f32 from vector<16xf32>
    %broadcast_in_dim3A_18 = vector.broadcast %reduce_sum3A_17 : f32 to vector<16xf32>
    %select_n3A = arith.select %eq3A_14, %broadcast_in_dim3A_18, %broadcast_in_dim3A_7 : vector<16xi1>, vector<16xf32>
    %eq3A_19 = arith.constant 4 : i32
    %eq3A_20 = vector.broadcast %eq3A_19 : i32 to vector<16xi32>
    %eq3A_21 = arith.cmpi eq, %iota3A, %eq3A_20 : vector<16xi32>
    %reduce_sum3A_22 = arith.constant true
    %reduce_sum3A_23 = vector.broadcast %reduce_sum3A_22 : i1 to vector<16xi1>
    %reduce_sum3A_24 = tpu.scan <sum>, %scan3A_11#1 masked %reduce_sum3A_23 : vector<16xf32>, vector<16xi1> -> vector<16xf32>
    %reduce_sum3A_25 = vector.extract %reduce_sum3A_24[15] : f32 from vector<16xf32>
    %broadcast_in_dim3A_26 = vector.broadcast %reduce_sum3A_25 : f32 to vector<16xf32>
    %select_n3A_27 = arith.select %eq3A_21, %broadcast_in_dim3A_26, %select_n3A : vector<16xi1>, vector<16xf32>
    %scan3A_28 = arith.constant 0 : i32
    %scan3A_29 = arith.constant 32 : i32
    %scan3A_30 = arith.addi %scan3A_28, %scan3A_29 : i32
    %scan3A_31 = arith.constant 1 : i32
    %scan3A_32:4 = scf.for %scan3A_119 = %scan3A_28 to %scan3A_30 step %scan3A_31 iter_args(%scan3A_120 = %broadcast_in_dim3A_7, %scan3A_121 = %broadcast_in_dim3A_7, %scan3A_122 = %scan3A_11#2, %scan3A_123 = %scan3A_11#3) -> (vector<16xf32>, vector<16xf32>, vector<16xf32>, vector<16xf32>)  : i32 {
      %mul3A_124 = arith.constant 16 : i32
      %mul3A_125 = arith.muli %scan3A_119, %mul3A_124 : i32
      %add3A_126 = arith.constant 512 : i32
      %add3A_127 = arith.addi %add3A_126, %mul3A_125 : i32
      %get3A = arith.index_cast %add3A_127 : i32 to index
      %get3A_128 = tpu.vector_load %arg12[%get3A] {strides = array<i32>} : memref<2048xi32, #tpu.memory_space<vmem>>, vector<16xi32>,
      %gather3A = tpu.vector_load_idx %arg9[%get3A_128] : memref<30720xf32, #tpu.memory_space<vmem>>[vector<16xi32>], vector<16xf32>,
      %gather3A_129 = tpu.vector_load_idx %arg10[%get3A_128] : memref<30720xf32, #tpu.memory_space<vmem>>[vector<16xi32>], vector<16xf32>,
      %gather3A_130 = tpu.vector_load_idx %arg11[%get3A_128] : memref<30720xf32, #tpu.memory_space<vmem>>[vector<16xi32>], vector<16xf32>,
      %get3A_131 = arith.index_cast %add3A_127 : i32 to index
      %get3A_132 = tpu.vector_load %arg13[%get3A_131] {strides = array<i32>} : memref<2048xi32, #tpu.memory_space<vmem>>, vector<16xi32>,
      %convert_element_type3A = arith.sitofp %get3A_132 : vector<16xi32> to vector<16xf32>
      %get3A_133 = arith.index_cast %add3A_127 : i32 to index
      %get3A_134 = tpu.vector_load %arg14[%get3A_133] {strides = array<i32>} : memref<2048xi32, #tpu.memory_space<vmem>>, vector<16xi32>,
      %convert_element_type3A_135 = arith.sitofp %get3A_134 : vector<16xi32> to vector<16xf32>
      %eq3A_136 = arith.constant 1 : i32
      %eq3A_137 = vector.broadcast %eq3A_136 : i32 to vector<16xi32>
      %eq3A_138 = arith.cmpi eq, %get3A_134, %eq3A_137 : vector<16xi32>
      %convert_element_type3A_139 = arith.extui %eq3A_138 : vector<16xi1> to vector<16xi32>
      %convert_element_type3A_140 = arith.sitofp %convert_element_type3A_139 : vector<16xi32> to vector<16xf32>
      %mul3A_141 = arith.mulf %gather3A, %convert_element_type3A_135 : vector<16xf32>
      %add3A_142 = arith.addf %scan3A_120, %mul3A_141 : vector<16xf32>
      %add3A_143 = arith.addf %scan3A_121, %convert_element_type3A_135 : vector<16xf32>
      %mul3A_144 = arith.mulf %gather3A_130, %convert_element_type3A : vector<16xf32>
      %add3A_145 = arith.addf %gather3A_129, %mul3A_144 : vector<16xf32>
      %mul3A_146 = arith.mulf %add3A_145, %convert_element_type3A_140 : vector<16xf32>
      %add3A_147 = arith.addf %scan3A_122, %mul3A_146 : vector<16xf32>
      %add3A_148 = arith.addf %scan3A_123, %convert_element_type3A_140 : vector<16xf32>
      scf.yield %add3A_142, %add3A_143, %add3A_147, %add3A_148 : vector<16xf32>, vector<16xf32>, vector<16xf32>, vector<16xf32>
    }
    %scan3A_33 = arith.constant 32 : i32
    %eq3A_34 = arith.constant 1 : i32
    %eq3A_35 = vector.broadcast %eq3A_34 : i32 to vector<16xi32>
    %eq3A_36 = arith.cmpi eq, %iota3A, %eq3A_35 : vector<16xi32>
    %reduce_sum3A_37 = arith.constant true
    %reduce_sum3A_38 = vector.broadcast %reduce_sum3A_37 : i1 to vector<16xi1>
    %reduce_sum3A_39 = tpu.scan <sum>, %scan3A_32#0 masked %reduce_sum3A_38 : vector<16xf32>, vector<16xi1> -> vector<16xf32>
    %reduce_sum3A_40 = vector.extract %reduce_sum3A_39[15] : f32 from vector<16xf32>
    %broadcast_in_dim3A_41 = vector.broadcast %reduce_sum3A_40 : f32 to vector<16xf32>
    %select_n3A_42 = arith.select %eq3A_36, %broadcast_in_dim3A_41, %select_n3A_27 : vector<16xi1>, vector<16xf32>
    %eq3A_43 = arith.constant 5 : i32
    %eq3A_44 = vector.broadcast %eq3A_43 : i32 to vector<16xi32>
    %eq3A_45 = arith.cmpi eq, %iota3A, %eq3A_44 : vector<16xi32>
    %reduce_sum3A_46 = arith.constant true
    %reduce_sum3A_47 = vector.broadcast %reduce_sum3A_46 : i1 to vector<16xi1>
    %reduce_sum3A_48 = tpu.scan <sum>, %scan3A_32#1 masked %reduce_sum3A_47 : vector<16xf32>, vector<16xi1> -> vector<16xf32>
    %reduce_sum3A_49 = vector.extract %reduce_sum3A_48[15] : f32 from vector<16xf32>
    %broadcast_in_dim3A_50 = vector.broadcast %reduce_sum3A_49 : f32 to vector<16xf32>
    %select_n3A_51 = arith.select %eq3A_45, %broadcast_in_dim3A_50, %select_n3A_42 : vector<16xi1>, vector<16xf32>
    %scan3A_52 = arith.constant 0 : i32
    %scan3A_53 = arith.constant 32 : i32
    %scan3A_54 = arith.addi %scan3A_52, %scan3A_53 : i32
    %scan3A_55 = arith.constant 1 : i32
    %scan3A_56:4 = scf.for %scan3A_119 = %scan3A_52 to %scan3A_54 step %scan3A_55 iter_args(%scan3A_120 = %broadcast_in_dim3A_7, %scan3A_121 = %broadcast_in_dim3A_7, %scan3A_122 = %scan3A_32#2, %scan3A_123 = %scan3A_32#3) -> (vector<16xf32>, vector<16xf32>, vector<16xf32>, vector<16xf32>)  : i32 {
      %mul3A_124 = arith.constant 16 : i32
      %mul3A_125 = arith.muli %scan3A_119, %mul3A_124 : i32
      %add3A_126 = arith.constant 1024 : i32
      %add3A_127 = arith.addi %add3A_126, %mul3A_125 : i32
      %get3A = arith.index_cast %add3A_127 : i32 to index
      %get3A_128 = tpu.vector_load %arg12[%get3A] {strides = array<i32>} : memref<2048xi32, #tpu.memory_space<vmem>>, vector<16xi32>,
      %gather3A = tpu.vector_load_idx %arg9[%get3A_128] : memref<30720xf32, #tpu.memory_space<vmem>>[vector<16xi32>], vector<16xf32>,
      %gather3A_129 = tpu.vector_load_idx %arg10[%get3A_128] : memref<30720xf32, #tpu.memory_space<vmem>>[vector<16xi32>], vector<16xf32>,
      %gather3A_130 = tpu.vector_load_idx %arg11[%get3A_128] : memref<30720xf32, #tpu.memory_space<vmem>>[vector<16xi32>], vector<16xf32>,
      %get3A_131 = arith.index_cast %add3A_127 : i32 to index
      %get3A_132 = tpu.vector_load %arg13[%get3A_131] {strides = array<i32>} : memref<2048xi32, #tpu.memory_space<vmem>>, vector<16xi32>,
      %convert_element_type3A = arith.sitofp %get3A_132 : vector<16xi32> to vector<16xf32>
      %get3A_133 = arith.index_cast %add3A_127 : i32 to index
      %get3A_134 = tpu.vector_load %arg14[%get3A_133] {strides = array<i32>} : memref<2048xi32, #tpu.memory_space<vmem>>, vector<16xi32>,
      %convert_element_type3A_135 = arith.sitofp %get3A_134 : vector<16xi32> to vector<16xf32>
      %eq3A_136 = arith.constant 1 : i32
      %eq3A_137 = vector.broadcast %eq3A_136 : i32 to vector<16xi32>
      %eq3A_138 = arith.cmpi eq, %get3A_134, %eq3A_137 : vector<16xi32>
      %convert_element_type3A_139 = arith.extui %eq3A_138 : vector<16xi1> to vector<16xi32>
      %convert_element_type3A_140 = arith.sitofp %convert_element_type3A_139 : vector<16xi32> to vector<16xf32>
      %mul3A_141 = arith.mulf %gather3A, %convert_element_type3A_135 : vector<16xf32>
      %add3A_142 = arith.addf %scan3A_120, %mul3A_141 : vector<16xf32>
      %add3A_143 = arith.addf %scan3A_121, %convert_element_type3A_135 : vector<16xf32>
      %mul3A_144 = arith.mulf %gather3A_130, %convert_element_type3A : vector<16xf32>
      %add3A_145 = arith.addf %gather3A_129, %mul3A_144 : vector<16xf32>
      %mul3A_146 = arith.mulf %add3A_145, %convert_element_type3A_140 : vector<16xf32>
      %add3A_147 = arith.addf %scan3A_122, %mul3A_146 : vector<16xf32>
      %add3A_148 = arith.addf %scan3A_123, %convert_element_type3A_140 : vector<16xf32>
      scf.yield %add3A_142, %add3A_143, %add3A_147, %add3A_148 : vector<16xf32>, vector<16xf32>, vector<16xf32>, vector<16xf32>
    }
    %scan3A_57 = arith.constant 32 : i32
    %eq3A_58 = arith.constant 2 : i32
    %eq3A_59 = vector.broadcast %eq3A_58 : i32 to vector<16xi32>
    %eq3A_60 = arith.cmpi eq, %iota3A, %eq3A_59 : vector<16xi32>
    %reduce_sum3A_61 = arith.constant true
    %reduce_sum3A_62 = vector.broadcast %reduce_sum3A_61 : i1 to vector<16xi1>
    %reduce_sum3A_63 = tpu.scan <sum>, %scan3A_56#0 masked %reduce_sum3A_62 : vector<16xf32>, vector<16xi1> -> vector<16xf32>
    %reduce_sum3A_64 = vector.extract %reduce_sum3A_63[15] : f32 from vector<16xf32>
    %broadcast_in_dim3A_65 = vector.broadcast %reduce_sum3A_64 : f32 to vector<16xf32>
    %select_n3A_66 = arith.select %eq3A_60, %broadcast_in_dim3A_65, %select_n3A_51 : vector<16xi1>, vector<16xf32>
    %eq3A_67 = arith.constant 6 : i32
    %eq3A_68 = vector.broadcast %eq3A_67 : i32 to vector<16xi32>
    %eq3A_69 = arith.cmpi eq, %iota3A, %eq3A_68 : vector<16xi32>
    %reduce_sum3A_70 = arith.constant true
    %reduce_sum3A_71 = vector.broadcast %reduce_sum3A_70 : i1 to vector<16xi1>
    %reduce_sum3A_72 = tpu.scan <sum>, %scan3A_56#1 masked %reduce_sum3A_71 : vector<16xf32>, vector<16xi1> -> vector<16xf32>
    %reduce_sum3A_73 = vector.extract %reduce_sum3A_72[15] : f32 from vector<16xf32>
    %broadcast_in_dim3A_74 = vector.broadcast %reduce_sum3A_73 : f32 to vector<16xf32>
    %select_n3A_75 = arith.select %eq3A_69, %broadcast_in_dim3A_74, %select_n3A_66 : vector<16xi1>, vector<16xf32>
    %scan3A_76 = arith.constant 0 : i32
    %scan3A_77 = arith.constant 32 : i32
    %scan3A_78 = arith.addi %scan3A_76, %scan3A_77 : i32
    %scan3A_79 = arith.constant 1 : i32
    %scan3A_80:4 = scf.for %scan3A_119 = %scan3A_76 to %scan3A_78 step %scan3A_79 iter_args(%scan3A_120 = %broadcast_in_dim3A_7, %scan3A_121 = %broadcast_in_dim3A_7, %scan3A_122 = %scan3A_56#2, %scan3A_123 = %scan3A_56#3) -> (vector<16xf32>, vector<16xf32>, vector<16xf32>, vector<16xf32>)  : i32 {
      %mul3A_124 = arith.constant 16 : i32
      %mul3A_125 = arith.muli %scan3A_119, %mul3A_124 : i32
      %add3A_126 = arith.constant 1536 : i32
      %add3A_127 = arith.addi %add3A_126, %mul3A_125 : i32
      %get3A = arith.index_cast %add3A_127 : i32 to index
      %get3A_128 = tpu.vector_load %arg12[%get3A] {strides = array<i32>} : memref<2048xi32, #tpu.memory_space<vmem>>, vector<16xi32>,
      %gather3A = tpu.vector_load_idx %arg9[%get3A_128] : memref<30720xf32, #tpu.memory_space<vmem>>[vector<16xi32>], vector<16xf32>,
      %gather3A_129 = tpu.vector_load_idx %arg10[%get3A_128] : memref<30720xf32, #tpu.memory_space<vmem>>[vector<16xi32>], vector<16xf32>,
      %gather3A_130 = tpu.vector_load_idx %arg11[%get3A_128] : memref<30720xf32, #tpu.memory_space<vmem>>[vector<16xi32>], vector<16xf32>,
      %get3A_131 = arith.index_cast %add3A_127 : i32 to index
      %get3A_132 = tpu.vector_load %arg13[%get3A_131] {strides = array<i32>} : memref<2048xi32, #tpu.memory_space<vmem>>, vector<16xi32>,
      %convert_element_type3A = arith.sitofp %get3A_132 : vector<16xi32> to vector<16xf32>
      %get3A_133 = arith.index_cast %add3A_127 : i32 to index
      %get3A_134 = tpu.vector_load %arg14[%get3A_133] {strides = array<i32>} : memref<2048xi32, #tpu.memory_space<vmem>>, vector<16xi32>,
      %convert_element_type3A_135 = arith.sitofp %get3A_134 : vector<16xi32> to vector<16xf32>
      %eq3A_136 = arith.constant 1 : i32
      %eq3A_137 = vector.broadcast %eq3A_136 : i32 to vector<16xi32>
      %eq3A_138 = arith.cmpi eq, %get3A_134, %eq3A_137 : vector<16xi32>
      %convert_element_type3A_139 = arith.extui %eq3A_138 : vector<16xi1> to vector<16xi32>
      %convert_element_type3A_140 = arith.sitofp %convert_element_type3A_139 : vector<16xi32> to vector<16xf32>
      %mul3A_141 = arith.mulf %gather3A, %convert_element_type3A_135 : vector<16xf32>
      %add3A_142 = arith.addf %scan3A_120, %mul3A_141 : vector<16xf32>
      %add3A_143 = arith.addf %scan3A_121, %convert_element_type3A_135 : vector<16xf32>
      %mul3A_144 = arith.mulf %gather3A_130, %convert_element_type3A : vector<16xf32>
      %add3A_145 = arith.addf %gather3A_129, %mul3A_144 : vector<16xf32>
      %mul3A_146 = arith.mulf %add3A_145, %convert_element_type3A_140 : vector<16xf32>
      %add3A_147 = arith.addf %scan3A_122, %mul3A_146 : vector<16xf32>
      %add3A_148 = arith.addf %scan3A_123, %convert_element_type3A_140 : vector<16xf32>
      scf.yield %add3A_142, %add3A_143, %add3A_147, %add3A_148 : vector<16xf32>, vector<16xf32>, vector<16xf32>, vector<16xf32>
    }
    %scan3A_81 = arith.constant 32 : i32
    %eq3A_82 = arith.constant 3 : i32
    %eq3A_83 = vector.broadcast %eq3A_82 : i32 to vector<16xi32>
    %eq3A_84 = arith.cmpi eq, %iota3A, %eq3A_83 : vector<16xi32>
    %reduce_sum3A_85 = arith.constant true
    %reduce_sum3A_86 = vector.broadcast %reduce_sum3A_85 : i1 to vector<16xi1>
    %reduce_sum3A_87 = tpu.scan <sum>, %scan3A_80#0 masked %reduce_sum3A_86 : vector<16xf32>, vector<16xi1> -> vector<16xf32>
    %reduce_sum3A_88 = vector.extract %reduce_sum3A_87[15] : f32 from vector<16xf32>
    %broadcast_in_dim3A_89 = vector.broadcast %reduce_sum3A_88 : f32 to vector<16xf32>
    %select_n3A_90 = arith.select %eq3A_84, %broadcast_in_dim3A_89, %select_n3A_75 : vector<16xi1>, vector<16xf32>
    %eq3A_91 = arith.constant 7 : i32
    %eq3A_92 = vector.broadcast %eq3A_91 : i32 to vector<16xi32>
    %eq3A_93 = arith.cmpi eq, %iota3A, %eq3A_92 : vector<16xi32>
    %reduce_sum3A_94 = arith.constant true
    %reduce_sum3A_95 = vector.broadcast %reduce_sum3A_94 : i1 to vector<16xi1>
    %reduce_sum3A_96 = tpu.scan <sum>, %scan3A_80#1 masked %reduce_sum3A_95 : vector<16xf32>, vector<16xi1> -> vector<16xf32>
    %reduce_sum3A_97 = vector.extract %reduce_sum3A_96[15] : f32 from vector<16xf32>
    %broadcast_in_dim3A_98 = vector.broadcast %reduce_sum3A_97 : f32 to vector<16xf32>
    %select_n3A_99 = arith.select %eq3A_93, %broadcast_in_dim3A_98, %select_n3A_90 : vector<16xi1>, vector<16xf32>
    %eq3A_100 = arith.constant 8 : i32
    %eq3A_101 = vector.broadcast %eq3A_100 : i32 to vector<16xi32>
    %eq3A_102 = arith.cmpi eq, %iota3A, %eq3A_101 : vector<16xi32>
    %reduce_sum3A_103 = arith.constant true
    %reduce_sum3A_104 = vector.broadcast %reduce_sum3A_103 : i1 to vector<16xi1>
    %reduce_sum3A_105 = tpu.scan <sum>, %scan3A_80#2 masked %reduce_sum3A_104 : vector<16xf32>, vector<16xi1> -> vector<16xf32>
    %reduce_sum3A_106 = vector.extract %reduce_sum3A_105[15] : f32 from vector<16xf32>
    %broadcast_in_dim3A_107 = vector.broadcast %reduce_sum3A_106 : f32 to vector<16xf32>
    %select_n3A_108 = arith.select %eq3A_102, %broadcast_in_dim3A_107, %select_n3A_99 : vector<16xi1>, vector<16xf32>
    %eq3A_109 = arith.constant 9 : i32
    %eq3A_110 = vector.broadcast %eq3A_109 : i32 to vector<16xi32>
    %eq3A_111 = arith.cmpi eq, %iota3A, %eq3A_110 : vector<16xi32>
    %reduce_sum3A_112 = arith.constant true
    %reduce_sum3A_113 = vector.broadcast %reduce_sum3A_112 : i1 to vector<16xi1>
    %reduce_sum3A_114 = tpu.scan <sum>, %scan3A_80#3 masked %reduce_sum3A_113 : vector<16xf32>, vector<16xi1> -> vector<16xf32>
    %reduce_sum3A_115 = vector.extract %reduce_sum3A_114[15] : f32 from vector<16xf32>
    %broadcast_in_dim3A_116 = vector.broadcast %reduce_sum3A_115 : f32 to vector<16xf32>
    %select_n3A_117 = arith.select %eq3A_111, %broadcast_in_dim3A_116, %select_n3A_108 : vector<16xi1>, vector<16xf32>
    %swap3A = arith.constant 0 : index
    %swap3A_118 = tpu.vector_load %arg15[%swap3A] {strides = array<i32>} : memref<16xf32, #tpu.memory_space<vmem>>, vector<16xf32>,
    tpu.vector_store %arg15[%swap3A], %select_n3A_117 {strides = array<i32>} : memref<16xf32, #tpu.memory_space<vmem>>, vector<16xf32>,
    "tpu.region"() ({
      %run_scoped3A = tpu.sem_alloc : memref<!tpu.dma_semaphore, #tpu.memory_space<semaphore_mem>>
      %dma_start3A = arith.constant 0 : i32
      %dma_start3A_119 = tpu.memref_slice %arg8[%add3A, %dma_start3A] : memref<32x16xf32, #tpu.memory_space<hbm>> -> memref<1x16xf32, #tpu.memory_space<hbm>>
      %dma_start3A_120 = tpu.memref_squeeze %dma_start3A_119 : memref<1x16xf32, #tpu.memory_space<hbm>> -> memref<16xf32, #tpu.memory_space<hbm>>
      %dma_start3A_121 = arith.constant 0 : i32
      %dma_start3A_122 = tpu.memref_slice %arg8[%add3A, %dma_start3A_121] : memref<32x16xf32, #tpu.memory_space<hbm>> -> memref<1x16xf32, #tpu.memory_space<hbm>>
      %dma_start3A_123 = tpu.memref_squeeze %dma_start3A_122 : memref<1x16xf32, #tpu.memory_space<hbm>> -> memref<16xf32, #tpu.memory_space<hbm>>
      tpu.enqueue_dma source(%arg15 : memref<16xf32, #tpu.memory_space<vmem>>) target(%dma_start3A_123 : memref<16xf32, #tpu.memory_space<hbm>>) target_semaphore(%run_scoped3A : memref<!tpu.dma_semaphore, #tpu.memory_space<semaphore_mem>>)
      %dma_wait3A = arith.constant 0 : i32
      %dma_wait3A_124 = tpu.memref_slice %arg8[%add3A, %dma_wait3A] : memref<32x16xf32, #tpu.memory_space<hbm>> -> memref<1x16xf32, #tpu.memory_space<hbm>>
      %dma_wait3A_125 = tpu.memref_squeeze %dma_wait3A_124 : memref<1x16xf32, #tpu.memory_space<hbm>> -> memref<16xf32, #tpu.memory_space<hbm>>
      %dma_wait3A_126 = arith.constant 0 : i32
      %dma_wait3A_127 = tpu.memref_slice %arg8[%add3A, %dma_wait3A_126] : memref<32x16xf32, #tpu.memory_space<hbm>> -> memref<1x16xf32, #tpu.memory_space<hbm>>
      %dma_wait3A_128 = tpu.memref_squeeze %dma_wait3A_127 : memref<1x16xf32, #tpu.memory_space<hbm>> -> memref<16xf32, #tpu.memory_space<hbm>>
      tpu.wait_dma2 semaphore(%run_scoped3A : memref<!tpu.dma_semaphore, #tpu.memory_space<semaphore_mem>>) src(%arg15 : memref<16xf32, #tpu.memory_space<vmem>>) dst(%dma_wait3A_128 : memref<16xf32, #tpu.memory_space<hbm>>)
      tpu.yield
    }) : () -> ()
    return
  }
}

module attributes {stable_mosaic.version = 14 : i64} {
  func.func @_table_body(%arg0: i32, %arg1: memref<512x768xf32, #tpu.memory_space<vmem>>, %arg2: memref<768x768xf32, #tpu.memory_space<vmem>>, %arg3: memref<1x768xf32, #tpu.memory_space<vmem>>, %arg4: memref<768x128xf32, #tpu.memory_space<vmem>>, %arg5: memref<1x128xf32, #tpu.memory_space<vmem>>, %arg6: memref<512x16xf32, #tpu.memory_space<vmem>>) attributes {dimension_semantics = [#tpu.dimension_semantics<arbitrary>], iteration_bounds = array<i64: 60>, scalar_prefetch = 0 : i64, scratch_operands = 0 : i64, tpu.core_type = #tpu.core_type<tc>, window_params = [{transform_indices = @transform_0, window_bounds = array<i64: 512, 768>}, {pipeline_mode = #tpu.pipeline_mode<synchronous>, transform_indices = @transform_1, window_bounds = array<i64: 768, 768>}, {pipeline_mode = #tpu.pipeline_mode<synchronous>, transform_indices = @transform_2, window_bounds = array<i64: 1, 768>}, {pipeline_mode = #tpu.pipeline_mode<synchronous>, transform_indices = @transform_3, window_bounds = array<i64: 768, 128>}, {pipeline_mode = #tpu.pipeline_mode<synchronous>, transform_indices = @transform_4, window_bounds = array<i64: 1, 128>}, {transform_indices = @transform_5, window_bounds = array<i64: 512, 16>}]} {
    %get3A = arith.constant 0 : index
    %get3A_0 = arith.constant 0 : index
    %get3A_1 = vector.load %arg1[%get3A, %get3A_0] : memref<512x768xf32, #tpu.memory_space<vmem>>, vector<512x768xf32>
    %get3A_2 = arith.constant 0 : index
    %get3A_3 = arith.constant 0 : index
    %get3A_4 = vector.load %arg2[%get3A_2, %get3A_3] : memref<768x768xf32, #tpu.memory_space<vmem>>, vector<768x768xf32>
    %dot_general3A = arith.constant dense<0.000000e+00> : vector<512x768xf32>
    %dot_general3A_5 = tpu.matmul %get3A_1, %get3A_4, %dot_general3A {dimension_numbers = #tpu.dot_dimension_numbers<[1], [0], [0], [1], [0, 0, 1, 1], [], []>, transpose_lhs_hint = false} : vector<512x768xf32>, vector<768x768xf32>, vector<512x768xf32> -> vector<512x768xf32>
    %get3A_6 = arith.constant 0 : index
    %get3A_7 = arith.constant 0 : index
    %get3A_8 = vector.load %arg3[%get3A_6, %get3A_7] : memref<1x768xf32, #tpu.memory_space<vmem>>, vector<1x768xf32>
    %add3A = vector.broadcast %get3A_8 : vector<1x768xf32> to vector<512x768xf32>
    %add3A_9 = arith.addf %dot_general3A_5, %add3A : vector<512x768xf32>
    %tanh3A = math.tanh %add3A_9 : vector<512x768xf32>
    %get3A_10 = arith.constant 0 : index
    %get3A_11 = arith.constant 0 : index
    %get3A_12 = vector.load %arg4[%get3A_10, %get3A_11] : memref<768x128xf32, #tpu.memory_space<vmem>>, vector<768x128xf32>
    %dot_general3A_13 = arith.constant dense<0.000000e+00> : vector<512x128xf32>
    %dot_general3A_14 = tpu.matmul %tanh3A, %get3A_12, %dot_general3A_13 {dimension_numbers = #tpu.dot_dimension_numbers<[1], [0], [0], [1], [0, 0, 1, 1], [], []>, transpose_lhs_hint = false} : vector<512x768xf32>, vector<768x128xf32>, vector<512x128xf32> -> vector<512x128xf32>
    %get3A_15 = arith.constant 0 : index
    %get3A_16 = arith.constant 0 : index
    %get3A_17 = vector.load %arg5[%get3A_15, %get3A_16] : memref<1x128xf32, #tpu.memory_space<vmem>>, vector<1x128xf32>
    %add3A_18 = vector.broadcast %get3A_17 : vector<1x128xf32> to vector<512x128xf32>
    %add3A_19 = arith.addf %dot_general3A_14, %add3A_18 : vector<512x128xf32>
    %slice3A = vector.extract_strided_slice %add3A_19 {offsets = [0, 0], sizes = [512, 1], strides = [1, 1]} : vector<512x128xf32> to vector<512x1xf32>
    %slice3A_20 = vector.extract_strided_slice %add3A_19 {offsets = [0, 1], sizes = [512, 1], strides = [1, 1]} : vector<512x128xf32> to vector<512x1xf32>
    %slice3A_21 = vector.extract_strided_slice %add3A_19 {offsets = [0, 2], sizes = [512, 1], strides = [1, 1]} : vector<512x128xf32> to vector<512x1xf32>
    %max3A = arith.maximumf %slice3A_20, %slice3A_21 : vector<512x1xf32>
    %sub3A = arith.subf %slice3A_20, %slice3A_21 : vector<512x1xf32>
    %abs3A = math.absf %sub3A : vector<512x1xf32>
    %neg3A = arith.constant 0.000000e+00 : f32
    %neg3A_22 = vector.broadcast %neg3A : f32 to vector<512x1xf32>
    %neg3A_23 = arith.subf %neg3A_22, %abs3A : vector<512x1xf32>
    %exp3A = math.exp %neg3A_23 : vector<512x1xf32>
    %log1p3A = math.log1p %exp3A : vector<512x1xf32>
    %add3A_24 = arith.addf %max3A, %log1p3A : vector<512x1xf32>
    %sub3A_25 = arith.subf %add3A_24, %slice3A_20 : vector<512x1xf32>
    %sub3A_26 = arith.subf %slice3A_20, %slice3A_21 : vector<512x1xf32>
    %iota3A = tpu.iota {dimensions = array<i32: 1>} : vector<512x16xi32>
    %eq3A = arith.constant 0 : i32
    %eq3A_27 = vector.broadcast %eq3A : i32 to vector<512x16xi32>
    %eq3A_28 = arith.cmpi eq, %iota3A, %eq3A_27 : vector<512x16xi32>
    %broadcast_in_dim3A = vector.shape_cast %slice3A : vector<512x1xf32> to vector<512x1xf32>
    %broadcast_in_dim3A_29 = vector.broadcast %broadcast_in_dim3A : vector<512x1xf32> to vector<512x16xf32>
    %jit3A = arith.constant 0.000000e+00 : f32
    %broadcast_in_dim3A_30 = vector.broadcast %jit3A : f32 to vector<512x16xf32>
    %select_n3A = arith.select %eq3A_28, %broadcast_in_dim3A_29, %broadcast_in_dim3A_30 : vector<512x16xi1>, vector<512x16xf32>
    %eq3A_31 = arith.constant 1 : i32
    %eq3A_32 = vector.broadcast %eq3A_31 : i32 to vector<512x16xi32>
    %eq3A_33 = arith.cmpi eq, %iota3A, %eq3A_32 : vector<512x16xi32>
    %broadcast_in_dim3A_34 = vector.shape_cast %sub3A_25 : vector<512x1xf32> to vector<512x1xf32>
    %broadcast_in_dim3A_35 = vector.broadcast %broadcast_in_dim3A_34 : vector<512x1xf32> to vector<512x16xf32>
    %select_n3A_36 = arith.select %eq3A_33, %broadcast_in_dim3A_35, %select_n3A : vector<512x16xi1>, vector<512x16xf32>
    %eq3A_37 = arith.constant 2 : i32
    %eq3A_38 = vector.broadcast %eq3A_37 : i32 to vector<512x16xi32>
    %eq3A_39 = arith.cmpi eq, %iota3A, %eq3A_38 : vector<512x16xi32>
    %broadcast_in_dim3A_40 = vector.shape_cast %sub3A_26 : vector<512x1xf32> to vector<512x1xf32>
    %broadcast_in_dim3A_41 = vector.broadcast %broadcast_in_dim3A_40 : vector<512x1xf32> to vector<512x16xf32>
    %select_n3A_42 = arith.select %eq3A_39, %broadcast_in_dim3A_41, %select_n3A_36 : vector<512x16xi1>, vector<512x16xf32>
    %swap3A = arith.constant 0 : index
    %swap3A_43 = arith.constant 0 : index
    %swap3A_44 = vector.load %arg6[%swap3A, %swap3A_43] : memref<512x16xf32, #tpu.memory_space<vmem>>, vector<512x16xf32>
    tpu.vector_store %arg6[%swap3A, %swap3A_43], %select_n3A_42 {strides = array<i32>} : memref<512x16xf32, #tpu.memory_space<vmem>>, vector<512x16xf32>,
    return
  }
  func.func @transform_0(%arg0: i32) -> (i32, i32) {
    %c0_i32 = arith.constant 0 : i32
    %c0_i32_0 = arith.constant 0 : i32
    return %arg0, %c0_i32 : i32, i32
  }
  func.func @transform_1(%arg0: i32) -> (i32, i32) {
    %c0_i32 = arith.constant 0 : i32
    %c0_i32_0 = arith.constant 0 : i32
    %c0_i32_1 = arith.constant 0 : i32
    return %c0_i32, %c0_i32_0 : i32, i32
  }
  func.func @transform_2(%arg0: i32) -> (i32, i32) {
    %c0_i32 = arith.constant 0 : i32
    %c0_i32_0 = arith.constant 0 : i32
    %c0_i32_1 = arith.constant 0 : i32
    return %c0_i32, %c0_i32_0 : i32, i32
  }
  func.func @transform_3(%arg0: i32) -> (i32, i32) {
    %c0_i32 = arith.constant 0 : i32
    %c0_i32_0 = arith.constant 0 : i32
    %c0_i32_1 = arith.constant 0 : i32
    return %c0_i32, %c0_i32_0 : i32, i32
  }
  func.func @transform_4(%arg0: i32) -> (i32, i32) {
    %c0_i32 = arith.constant 0 : i32
    %c0_i32_0 = arith.constant 0 : i32
    %c0_i32_1 = arith.constant 0 : i32
    return %c0_i32, %c0_i32_0 : i32, i32
  }
  func.func @transform_5(%arg0: i32) -> (i32, i32) {
    %c0_i32 = arith.constant 0 : i32
    %c0_i32_0 = arith.constant 0 : i32
    return %arg0, %c0_i32 : i32, i32
  }
}

module attributes {stable_mosaic.version = 14 : i64} {
  func.func @_final_body(%arg0: memref<32x16xf32, #tpu.memory_space<vmem>>, %arg1: memref<32x4xf32, #tpu.memory_space<vmem>>, %arg2: memref<1x1xf32, #tpu.memory_space<vmem>>, %arg3: memref<1x1xf32, #tpu.memory_space<vmem>>) attributes {dimension_semantics = [], scalar_prefetch = 0 : i64, scratch_operands = 0 : i64, tpu.core_type = #tpu.core_type<tc>} {
    %get3A = arith.constant 0 : index
    %get3A_0 = arith.constant 0 : index
    %get3A_1 = vector.load %arg0[%get3A, %get3A_0] : memref<32x16xf32, #tpu.memory_space<vmem>>, vector<32x16xf32>
    %slice3A = vector.extract_strided_slice %get3A_1 {offsets = [0, 0], sizes = [32, 4], strides = [1, 1]} : vector<32x16xf32> to vector<32x4xf32>
    %slice3A_2 = vector.extract_strided_slice %get3A_1 {offsets = [0, 4], sizes = [32, 4], strides = [1, 1]} : vector<32x16xf32> to vector<32x4xf32>
    %max3A = arith.constant 1.000000e+00 : f32
    %max3A_3 = vector.broadcast %max3A : f32 to vector<32x4xf32>
    %max3A_4 = arith.maximumf %slice3A_2, %max3A_3 : vector<32x4xf32>
    %div3A = arith.divf %slice3A, %max3A_4 : vector<32x4xf32>
    %get3A_5 = arith.constant 0 : index
    %get3A_6 = arith.constant 0 : index
    %get3A_7 = vector.load %arg2[%get3A_5, %get3A_6] : memref<1x1xf32, #tpu.memory_space<vmem>>, vector<1x1xf32>
    %get3A_8 = vector.extract %get3A_7[0, 0] : f32 from vector<1x1xf32>
    %add3A = vector.broadcast %get3A_8 : f32 to vector<32x4xf32>
    %add3A_9 = arith.addf %div3A, %add3A : vector<32x4xf32>
    %get3A_10 = arith.constant 0 : index
    %get3A_11 = arith.constant 0 : index
    %get3A_12 = vector.load %arg1[%get3A_10, %get3A_11] : memref<32x4xf32, #tpu.memory_space<vmem>>, vector<32x4xf32>
    %ne3A = arith.constant -1.000000e+02 : f32
    %ne3A_13 = vector.broadcast %ne3A : f32 to vector<32x4xf32>
    %ne3A_14 = arith.cmpf one, %get3A_12, %ne3A_13 : vector<32x4xf32>
    %convert_element_type3A = arith.extui %ne3A_14 : vector<32x4xi1> to vector<32x4xi32>
    %convert_element_type3A_15 = arith.sitofp %convert_element_type3A : vector<32x4xi32> to vector<32x4xf32>
    %max3A_16 = arith.constant 0.000000e+00 : f32
    %max3A_17 = vector.broadcast %max3A_16 : f32 to vector<32x4xf32>
    %max3A_18 = arith.maximumf %add3A_9, %max3A_17 : vector<32x4xf32>
    %mul3A = arith.mulf %add3A_9, %get3A_12 : vector<32x4xf32>
    %sub3A = arith.subf %max3A_18, %mul3A : vector<32x4xf32>
    %abs3A = math.absf %add3A_9 : vector<32x4xf32>
    %neg3A = arith.constant 0.000000e+00 : f32
    %neg3A_19 = vector.broadcast %neg3A : f32 to vector<32x4xf32>
    %neg3A_20 = arith.subf %neg3A_19, %abs3A : vector<32x4xf32>
    %exp3A = math.exp %neg3A_20 : vector<32x4xf32>
    %log1p3A = math.log1p %exp3A : vector<32x4xf32>
    %add3A_21 = arith.addf %sub3A, %log1p3A : vector<32x4xf32>
    %mul3A_22 = arith.mulf %add3A_21, %convert_element_type3A_15 : vector<32x4xf32>
    %reduce_sum3A = vector.shape_cast %mul3A_22 : vector<32x4xf32> to vector<1x32x4xf32>
    %reduce_sum3A_23 = arith.constant dense<0.000000e+00> : vector<1xf32>
    %reduce_sum3A_24 = vector.multi_reduction <add>, %reduce_sum3A, %reduce_sum3A_23 [1, 2] : vector<1x32x4xf32> to vector<1xf32>
    %reduce_sum3A_25 = vector.shape_cast %reduce_sum3A_24 : vector<1xf32> to vector<1x1x1xf32>
    %reduce_sum3A_26 = vector.extract %reduce_sum3A_25[0, 0, 0] : f32 from vector<1x1x1xf32>
    %reduce_sum3A_27 = vector.shape_cast %convert_element_type3A_15 : vector<32x4xf32> to vector<1x32x4xf32>
    %reduce_sum3A_28 = arith.constant dense<0.000000e+00> : vector<1xf32>
    %reduce_sum3A_29 = vector.multi_reduction <add>, %reduce_sum3A_27, %reduce_sum3A_28 [1, 2] : vector<1x32x4xf32> to vector<1xf32>
    %reduce_sum3A_30 = vector.shape_cast %reduce_sum3A_29 : vector<1xf32> to vector<1x1x1xf32>
    %reduce_sum3A_31 = vector.extract %reduce_sum3A_30[0, 0, 0] : f32 from vector<1x1x1xf32>
    %max3A_32 = arith.constant 1.000000e+00 : f32
    %max3A_33 = arith.maximumf %reduce_sum3A_31, %max3A_32 : f32
    %div3A_34 = arith.divf %reduce_sum3A_26, %max3A_33 : f32
    %slice3A_35 = vector.extract_strided_slice %get3A_1 {offsets = [0, 8], sizes = [32, 1], strides = [1, 1]} : vector<32x16xf32> to vector<32x1xf32>
    %reduce_sum3A_36 = vector.shape_cast %slice3A_35 : vector<32x1xf32> to vector<1x32x1xf32>
    %reduce_sum3A_37 = arith.constant dense<0.000000e+00> : vector<1xf32>
    %reduce_sum3A_38 = vector.multi_reduction <add>, %reduce_sum3A_36, %reduce_sum3A_37 [1, 2] : vector<1x32x1xf32> to vector<1xf32>
    %reduce_sum3A_39 = vector.shape_cast %reduce_sum3A_38 : vector<1xf32> to vector<1x1x1xf32>
    %reduce_sum3A_40 = vector.extract %reduce_sum3A_39[0, 0, 0] : f32 from vector<1x1x1xf32>
    %slice3A_41 = vector.extract_strided_slice %get3A_1 {offsets = [0, 9], sizes = [32, 1], strides = [1, 1]} : vector<32x16xf32> to vector<32x1xf32>
    %reduce_sum3A_42 = vector.shape_cast %slice3A_41 : vector<32x1xf32> to vector<1x32x1xf32>
    %reduce_sum3A_43 = arith.constant dense<0.000000e+00> : vector<1xf32>
    %reduce_sum3A_44 = vector.multi_reduction <add>, %reduce_sum3A_42, %reduce_sum3A_43 [1, 2] : vector<1x32x1xf32> to vector<1xf32>
    %reduce_sum3A_45 = vector.shape_cast %reduce_sum3A_44 : vector<1xf32> to vector<1x1x1xf32>
    %reduce_sum3A_46 = vector.extract %reduce_sum3A_45[0, 0, 0] : f32 from vector<1x1x1xf32>
    %max3A_47 = arith.constant 1.000000e+00 : f32
    %max3A_48 = arith.maximumf %reduce_sum3A_46, %max3A_47 : f32
    %div3A_49 = arith.divf %reduce_sum3A_40, %max3A_48 : f32
    %mul3A_50 = arith.constant 1.000000e+00 : f32
    %mul3A_51 = arith.mulf %mul3A_50, %div3A_34 : f32
    %mul3A_52 = arith.constant 5.000000e-01 : f32
    %mul3A_53 = arith.mulf %mul3A_52, %div3A_49 : f32
    %add3A_54 = arith.addf %mul3A_51, %mul3A_53 : f32
    %reshape3A = vector.broadcast %add3A_54 : f32 to vector<1x1xf32>
    %swap3A = arith.constant 0 : index
    %swap3A_55 = arith.constant 0 : index
    %swap3A_56 = vector.load %arg3[%swap3A, %swap3A_55] : memref<1x1xf32, #tpu.memory_space<vmem>>, vector<1x1xf32>
    tpu.vector_store %arg3[%swap3A, %swap3A_55], %reshape3A {strides = array<i32>} : memref<1x1xf32, #tpu.memory_space<vmem>>, vector<1x1xf32>,
    return
  }
}

</mosaic_0001>

<sc_bundles>
// kernel: kernel.5.cloned.1.call-start
scs
__scs_entry_jumppad:
0x0: {  	(pc) =	sbr.rel $0x88, $3  }
0x1: {  	(tag) =	ssettag $0x0;
	lr =	simm.s32 $0x1  }
0x2: {  	[smem:$0x3F94] =	sst lr;
	_ =	strace $0xD0000000  }
0x3: {  	_ = 	snop  }
0x4: {  	_ = 	snop  }
0x5: {  	_ = 	snop  }
0x6: {  	_ = 	snop  }
0x7: {  	_ = 	snop  }
__scs_overlays_trampoline_lowered:
0x8: {  	[smem:$0x3FA3] =	sst s0  }
0x9: {  	[smem:$0x3FA4] =	sst s1  }
0xa: {  	[smem:$0x3FA5] =	sst s2  }
0xb: {  	[smem:$0x3FA6] =	sst s3  }
0xc: {  	[smem:$0x3FA7] =	sst s4  }
0xd: {  	[smem:$0x3FA8] =	sst s5  }
0xe: {  	[smem:$0x3FA9] =	sst s6  }
0xf: {  	[smem:$0x3FAA] =	sst s7  }
0x10: {  	[smem:$0x3FAB] =	sst s8  }
0x11: {  	[smem:$0x3FAC] =	sst s9;
	s0 =	simm.s32 @!p0 $0x0  }
0x12: {  	s1 =	sld [smem:$0x3F92];
	s0 =	simm.s32 @p0 $0x1  }
0x13: {  	[smem:$0x3FAD] =	sst s0;
	s0 =	simm.s32 @!p1 $0x0  }
0x14: {  	s2 =	sld [smem:$0x3F91];
	s0 =	simm.s32 @p1 $0x1  }
0x15: {  	[smem:$0x3FAE] =	sst s0;
	s0 =	simm.s32 @!p2 $0x0  }
0x16: {  	s3 =	sld [smem:$0x3FDB];
	s0 =	simm.s32 @p2 $0x1  }
0x17: {  	s4 =	simm.s32 $0x1BF5;
	[smem:$0x3FB0] =	sst s0  }
0x18: {  	s0 =	sld [smem:$0x3F93];
	_ =	swait.ge [sflag:s4], $0x0  }
0x19: {  	s7 =	sld [smem:$0x3F94]  }
0x1a: {  	s8 =	sadd.s32 $0xFFFFE003, lr  }
0x1b: {  	s9 =	sadd.s32 $0xFFFFFEF7, lr;
	s5 =	simm.s32 $0xFFFFFFFF;
	p2 =	slt.u32 s8, $0xFFFFF086  }
0x1c: {  	p1 =	slt.u32 s9, $0xF7A;
	s5 =	simm.s32 @!p2 $0x0  }
0x1d: {  	s5 =	simm.s32 @p1 $0x1;
	p0 =	seq.s32 s7, s2  }
0x1e: {  	s7 =	smul.u32 @!p0 $0xF7A, s2;
	p2 =	seq.s32 @!p0 s5, $0x0  }
0x1f: {  	s9 =	smul.u32 $0xF7A, s1;
	s8 =	simm.s32 @!p0 $0x1BF5;
	p2 =	por !p2, p0  }
0x20: {  	[sflag:s8] =	ssyncset.s32 @!p0 $0xFFFFF086;
	s6 =	sadd.s32 @!p0 s3, s7;
	s7 =	simm.s32 @!p0 $0x108  }
0x21: {  	s3 =	sadd.s32 s3, s9;
	s6 =	sadd.s32 @!p0 $0x88, s6;
	s7 =	simm.s32 @p2 $0x1082  }
0x22: {  	[simem:s7], [sflag:s8] =	dma.local @!p0 [hbm:s6], $0xF7A  }
0x23: {  	s9 =	sor.u32 $0xD0000000, s2;
	s6 =	simm.s32 $0x108;
	_ =	swait.ge @!p0 [sflag:s8], $0x0  }
0x24: {  	s3 =	sadd.s32 $0x88, s3;
	s6 =	simm.s32 @!p1 $0x1082;
	[sflag:s4] =	ssyncset.s32 $0xFFFFF086  }
0x25: {  	[simem:s6], [sflag:s4] =	dma.local [hbm:s3], $0xF7A  }
0x26: {  	[smem:$0x3F94] =	sst s1;
	(tag) =	ssettag s2;
	_ =	strace s9  }
0x27: {  	s1 =	sld [smem:$0x3FA4]  }
0x28: {  	s2 =	sld [smem:$0x3FA5]  }
0x29: {  	s4 =	sld [smem:$0x3FA7]  }
0x2a: {  	p0 =	seq.s32 s5, $0x0;
	s5 =	sld [smem:$0x3FA8]  }
0x2b: {  	s6 =	sld [smem:$0x3FA9]  }
0x2c: {  	s7 =	sld [smem:$0x3FAA]  }
0x2d: {  	s3 =	simm.s32 $0x108;
	s8 =	sld [smem:$0x3FAB]  }
0x2e: {  	s3 =	simm.s32 @!p0 $0x1082;
	s9 =	sld [smem:$0x3FAC]  }
0x2f: {  	lr =	sadd.s32 s0, s3;
	s0 =	sld [smem:$0x3FA3]  }
0x30: {  	s3 =	sld [smem:$0x3FA6]  }
0x31: {  	[smem:$0x3FAF] =	sst s10  }
0x32: {  	s10 =	sld [smem:$0x3FAD];
	_ =	sdelay $0x3  }
0x33: {  	p0 =	seq.s32 s10, $0x1;
	s10 =	sld [smem:$0x3FAF];
	_ =	sdelay $0x3  }
0x34: {  	[smem:$0x3FAF] =	sst s10  }
0x35: {  	s10 =	sld [smem:$0x3FAE];
	_ =	sdelay $0x3  }
0x36: {  	p1 =	seq.s32 s10, $0x1;
	s10 =	sld [smem:$0x3FAF];
	_ =	sdelay $0x3  }
0x37: {  	[smem:$0x3FAF] =	sst s10  }
0x38: {  	s10 =	sld [smem:$0x3FB0]  }
0x39: {  	_ = 	snop;
	(pc) =	sbr.ind lr, $3  }
0x3a: {  	_ = 	snop  }
0x3b: {  	_ = 	snop  }
0x3c: {  	p2 =	seq.s32 s10, $0x1;
	s10 =	sld [smem:$0x3FAF]  }
0x3d: {  	_ =	shalt  }
0x3e: {  	_ =	shalt  }
0x3f: {  	_ =	shalt  }
0x40: {  	_ =	shalt  }
0x41: {  	_ =	shalt  }
0x42: {  	_ =	shalt  }
0x43: {  	_ =	shalt  }
0x44: {  	_ =	shalt  }
0x45: {  	_ =	shalt  }
0x46: {  	_ =	shalt  }
0x47: {  	_ =	shalt  }
0x48: {  	_ =	shalt  }
0x49: {  	_ =	shalt  }
0x4a: {  	_ =	shalt  }
0x4b: {  	_ =	shalt  }
0x4c: {  	_ =	shalt  }
0x4d: {  	_ =	shalt  }
0x4e: {  	_ =	shalt  }
0x4f: {  	_ =	shalt  }
0x50: {  	_ =	shalt  }
0x51: {  	_ =	shalt  }
0x52: {  	_ =	shalt  }
0x53: {  	_ =	shalt  }
0x54: {  	_ =	shalt  }
0x55: {  	_ =	shalt  }
0x56: {  	_ =	shalt  }
0x57: {  	_ =	shalt  }
0x58: {  	_ =	shalt  }
0x59: {  	_ =	shalt  }
0x5a: {  	_ =	shalt  }
0x5b: {  	_ =	shalt  }
0x5c: {  	_ =	shalt  }
0x5d: {  	_ =	shalt  }
0x5e: {  	_ =	shalt  }
0x5f: {  	_ =	shalt  }
0x60: {  	_ =	shalt  }
0x61: {  	_ =	shalt  }
0x62: {  	_ =	shalt  }
0x63: {  	_ =	shalt  }
0x64: {  	_ =	shalt  }
0x65: {  	_ =	shalt  }
0x66: {  	_ =	shalt  }
0x67: {  	_ =	shalt  }
0x68: {  	_ =	shalt  }
0x69: {  	_ =	shalt  }
0x6a: {  	_ =	shalt  }
0x6b: {  	_ =	shalt  }
0x6c: {  	_ =	shalt  }
0x6d: {  	_ =	shalt  }
0x6e: {  	_ =	shalt  }
0x6f: {  	_ =	shalt  }
0x70: {  	_ =	shalt  }
0x71: {  	_ =	shalt  }
0x72: {  	_ =	shalt  }
0x73: {  	_ =	shalt  }
0x74: {  	_ =	shalt  }
0x75: {  	_ =	shalt  }
0x76: {  	_ =	shalt  }
0x77: {  	_ =	shalt  }
0x78: {  	_ =	shalt  }
0x79: {  	_ =	shalt  }
0x7a: {  	_ =	shalt  }
0x7b: {  	_ =	shalt  }
0x7c: {  	_ =	shalt  }
0x7d: {  	_ =	shalt  }
0x7e: {  	_ =	shalt  }
0x7f: {  	_ =	shalt  }
0x80: {  	_ =	shalt  }
0x81: {  	_ =	shalt  }
0x82: {  	_ =	shalt  }
0x83: {  	_ =	shalt  }
0x84: {  	_ =	shalt  }
0x85: {  	_ =	shalt  }
0x86: {  	_ =	shalt  }
0x87: {  	_ =	shalt  }
.Lfunc_end0:
.L_simem_size_0:
called_computation_lowered:
.L_overlay_start_0:
0x88: {  	s2 =	sld [smem:$0x3FD9]  }
0x89: {  	s3 =	sld [smem:$0x3FFE];
	_ =	sdelay $0x1  }
0x8a: {  	s1 =	srdreg.scid  }
0x8b: {  	s0 =	sand.u32 $0x1, s1  }
0x8c: {  	s16 =	sshll.u32 s0, $0xA;
	s2 =	sadd.s32 s3, s2  }
0x8d: {  	s2 =	sadd.s32 s2, s16  }
0x8e: {  	[smem:$0x3FBB] =	sst s2  }
0x8f: {  	_ = 	snop  }
0x90: {  	(tm) =	ssettm $0x1  }
0x91: {  	s17 =	sld [smem:$0x3FFB];
	_ =	sdelay $0x3  }
0x92: {  	_ =	strace s17  }
0x93: {  	s2 =	sld [smem:$0x3FFC];
	_ =	sdelay $0x3  }
0x94: {  	_ =	strace s2  }
0x95: {  	s2 =	sld [smem:$0x3FFD];
	_ =	sdelay $0x3  }
0x96: {  	_ =	strace s2  }
0x97: {  	_ =	strace $0x8FFFFFFF  }
0x98: {  	s18 =	sld [smem:$0x3FDB];
	_ =	sdelay $0x1  }
0x99: {  	s19 =	simm.s32 $_scs_section_size  }
0x9a: {  	s4 =	simm.s32 $_size__tile_overlayer_lowered;
	s5 =	simm.s32 $_tile_overlayer_lowered  }
0x9b: {  	s22 =	simm.s32 $0x1BFF;
	s21 =	sshll.u32 s5, $0x1;
	s2 =	sadd.s32 s19, s18  }
0x9c: {  	s6 =	simm.s32 $0x0;
	s20 =	sshll.u32 s4, $0x1;
	s4 =	sadd.s32 s21, s2  }
0x9d: {  	[timem:s6], [sflag:s22] =	dma.local [hbm:s4], s20  }
0x9e: {  	_ =	swait.ge [sflag:s22], s20  }
0x9f: {  	s3 =	ssub.s32 $0x0, s20;
	[sflag:s22] =	ssyncset.done $0x0  }
0xa0: {  	[sflag:s22] =	ssyncadd.s32 s3;
	_ =	sdelay $0x1  }
0xa1: {  	s23 =	simm.s32 $0x1B8B  }
0xa2: {  	_ =	swait.ge [sflag:s23], $0x1  }
0xa3: {  	[sflag:s23] =	ssyncset.done $0x0  }
0xa4: {  	s25 =	simm.s32 $0x1B8E;
	s24 =	sld [smem:$0x3FFE];
	[sflag:s23] =	ssyncadd.s32 $0xFFFFFFFF  }
0xa5: {  	s26 =	simm.s32 $execute0_lowered;
	[smem:$0x3FD2] =	sst s25  }
0xa6: {  	s4 =	sshll.u32 s26, $0x1;
	_ =	strace $0x80000046;
	[dreg:$0x1] =	wrdreg $0xFFFFFFFF  }
0xa7: {  	s28 =	simm.s32 $_size_execute0_lowered;
	s2 =	sadd.s32 s2, s4;
	[dreg:$0x0] =	wrdreg $0x0  }
0xa8: {  	s4 =	sshll.u32 s28, $0x1;
	[dreg:$0x2] =	wrdreg s2  }
0xa9: {  	[dreg:$0x3] =	wrdreg s4  }
0xaa: {  	[dreg:$0x4] =	wrdreg $0xC0  }
0xab: {  	_ =	task [dreg:s6], $0x5FFFF  }
0xac: {  	[dreg:$0x1] =	wrdreg $0xFFFFFFFF  }
0xad: {  	[dreg:$0x0] =	wrdreg $0x60  }
0xae: {  	[dreg:$0x2] =	wrdreg s24  }
0xaf: {  	[dreg:$0x3] =	wrdreg $0x9  }
0xb0: {  	_ =	task.clear_ibuf [dreg:s6], $0x4FFFF;
	_ =	strace $0x90000046  }
0xb1: {  	s29 =	simm.s32 $0x9;
	_ =	strace $0x80000048  }
0xb2: {  	_ =	swait.ge [sflag:s29], $0x1  }
0xb3: {  	[sflag:s29] =	ssyncadd.s32 $0xFFFFFFFF  }
0xb4: {  	_ =	strace $0x90000048  }
0xb5: {  	_ =	sfence  }
0xb6: {  	s30 =	sld [smem:$0x0];
	_ =	sdelay $0x2  }
0xb7: {  	s31 =	sshll.u32 s1, $0xD;
	s1 =	sshrl.u32 s1, $0x2  }
0xb8: {  	s3 =	sand.u32 $0x4000, s31;
	s1 =	sadd.s32 s1, s30  }
0xb9: {  	s0 =	sor.u32 s3, s0;
	s1 =	sshll.u32 s1, $0x11  }
0xba: {  	s0 =	sor.u32 s1, s0  }
0xbb: {  	s0 =	sadd.s32 $0x8F2B, s0  }
0xbc: {  	[sflag:s0] =	ssyncadd.remote.s32 $0x1  }
0xbd: {  	_ =	sfence.sel $0xFFFF  }
0xbe: {  	[dreg:$0x0] =	wrdreg $0xFFFFFFFF;
	(pc) =	sbr.abs _section_cstart, $3  }
0xbf: {  	[dreg:$0x1] =	wrdreg $0xFFFFFFFF  }
0xc0: {  	_ =	task.clear_ibuf [dreg:s6], $0x2FFFF;
	_ =	strace $0x9FFFFFFF  }
0xc1: {  	(tm) =	ssettm $0x7FFFFFFF  }
tec
execute0_lowered:
.L_overlay_start_1:
0x0: {  	(tag) =	ssettag $0x1  }
0x1: {  	s2 =	rddreg [dreg:$0x0]  }
0x2: {  	s0 =	rddreg [dreg:$0x1]  }
0x3: {  	s3 =	simm.s32 $0x0;
	s4 =	srdreg.scid;
	s1 =	stileid.u32  }
0x4: {  	s12 =	simm.s32 $0x7800;
	s13 =	simm.s32 $0xF000;
	s14 =	simm.s32 $0x16800  }
0x5: {  	s15 =	simm.s32 $0x17000;
	s16 =	simm.s32 $0x17800;
	s17 =	simm.s32 $0x18000  }
0x6: {  	s18 =	simm.s32 $0x0;
	[smem:$0x7FF] =	sst s3;
	s6 =	sand.u32 $0x1, s4  }
0x7: {  	v0 =	vimm.s32 $0x0;
	s5 =	sshll.u32 s1, $0x1;
	s4 =	sadd.s32 $0x2000, s2;
	_ =	strace $0x80000047  }
0x8: {  	vm0 =	vcmask $0x328;
	vm3 =	vcmask $0x1310;
	vm4 =	vcmask $0x728;
	s7 =	sor.u32 s6, s5;
	s5 =	sadd.s32 $0x1000, s2;
	s6 =	ssub.s32 $0x2, s6  }
0x9: {  	vm1 =	vmmov $0x1;
	vm5 =	vcmask $0x1710;
	vm6 =	vcmask $0xB28;
	s8 =	sshll.u32 s7, $0x8;
	s7 =	sshll.u32 s7, $0x4;
	s9 =	sshrl.u32 s6, $0x1  }
0xa: {  	vm7 =	vcmask $0x1B10;
	vm8 =	vcmask $0x1F28;
	vm9 =	vcmask $0x2328;
	s8 =	sadd.s32 s8, s2;
	s10 =	sadd.s32 s7, s2;
	s11 =	ssub.s32 s6, s9  }
0xb: {  	vm2 =	vmor vm0, vm3;
	vm3 =	vmor vm4, vm3;
	vm4 =	vmor vm4, vm5;
	s6 =	sadd.s32 $0x3000, s8;
	s7 =	sadd.s32 $0x5000, s8;
	s8 =	sadd.s32 $0x7000, s8  }
0xc: {  	vm5 =	vmor vm6, vm5;
	vm6 =	vmor vm6, vm7;
	vm7 =	vcmask $0x1B28;
	s9 =	sadd.s32 $0x9000, s10;
	s10 =	smax.u32 s11, $0x1;
	s11 =	simm.s32 $0x1  }
.LBB2_1:
0xd: {  	[tilespmem:s3], [sflag:$0x1] =	stream.linear.gather [hbm4b:s4+s3], $0x7800, $0x38;
	[tilespmem:$0x18080] =	vst v63  }
0xe: {  	_ =	swait.ge [sflag:s11], $0x7800  }
0xf: {  	[sflag:s11] =	ssyncset.done $0x0  }
0x10: {  	[sflag:s11] =	ssyncadd.s32 $0xFFFF8800  }
0x11: {  	[tilespmem:s12], [sflag:$0x1] =	stream.linear.gather [hbm4b:s5+s3], $0x7800, $0x38;
	[tilespmem:$0x18080] =	vst v63  }
0x12: {  	_ =	swait.ge [sflag:s11], $0x7800  }
0x13: {  	[sflag:s11] =	ssyncset.done $0x0  }
0x14: {  	[sflag:s11] =	ssyncadd.s32 $0xFFFF8800  }
0x15: {  	[tilespmem:s13], [sflag:$0x1] =	stream.linear.gather [hbm4b:s2+s3], $0x7800, $0x38;
	[tilespmem:$0x18080] =	vst v63  }
0x16: {  	_ =	swait.ge [sflag:s11], $0x7800  }
0x17: {  	[sflag:s11] =	ssyncset.done $0x0  }
0x18: {  	[sflag:s11] =	ssyncadd.s32 $0xFFFF8800  }
0x19: {  	[tilespmem:s14], [sflag:$0x1] =	stream.linear.gather [hbm4b:s6+s3], $0x800, $0x38;
	[tilespmem:$0x18080] =	vst v63  }
0x1a: {  	_ =	swait.ge [sflag:s11], $0x800  }
0x1b: {  	[sflag:s11] =	ssyncset.done $0x0  }
0x1c: {  	[sflag:s11] =	ssyncadd.s32 $0xFFFFF800  }
0x1d: {  	[tilespmem:s15], [sflag:$0x1] =	stream.linear.gather [hbm4b:s7+s3], $0x800, $0x38;
	[tilespmem:$0x18080] =	vst v63  }
0x1e: {  	_ =	swait.ge [sflag:s11], $0x800  }
0x1f: {  	[sflag:s11] =	ssyncset.done $0x0  }
0x20: {  	[sflag:s11] =	ssyncadd.s32 $0xFFFFF800  }
0x21: {  	[tilespmem:s16], [sflag:$0x1] =	stream.linear.gather [hbm4b:s8+s3], $0x800, $0x38;
	[tilespmem:$0x18080] =	vst v63  }
0x22: {  	_ =	swait.ge [sflag:s11], $0x800  }
0x23: {  	[sflag:s11] =	ssyncset.done $0x0  }
0x24: {  	s19 =	simm.s32 $0x0;
	[sflag:s11] =	ssyncadd.s32 $0xFFFFF800  }
0x25: {  	v2 =	vld [tilespmem:s19+$0x16800];
	_ =	sdelay $0x5  }
0x26: {  	s20 =	simm.s32 $0x10;
	v3 =	vld [tilespmem:s19+$0x17000]  }
0x27: {  	v1 =	vld [tilespmem:s20+$0x16800]  }
0x28: {  	v4 =	vld.idx.msk [tilespmem:v2+s13+$0x0], $0xffff  }
0x29: {  	v5 =	vld [tilespmem:s19+$0x17800]  }
0x2a: {  	v6 =	vld.idx.msk [tilespmem:v2+s12+$0x0], $0xffff  }
0x2b: {  	v3 =	vcvt.s32.f32 v3  }
0x2c: {  	v8 =	vld.idx.msk [tilespmem:v2+s3+$0x0], $0xffff  }
0x2d: {  	v4 =	vmul.f32 v3, v4  }
0x2e: {  	v10 =	vcvt.s32.f32 v5;
	vm10 =	veq.s32 v5, $0x1;
	v5 =	vimm.f32 $0.0e+00  }
0x2f: {  	v7 =	vld [tilespmem:s20+$0x17000];
	v12 =	vsel vm10, $0x3F800000, v0;
	v2 =	vimm.f32 $0.0e+00;
	v11 =	vadd.f32 v4, v6  }
0x30: {  	s22 =	simm.s32 $0x20;
	s21 =	simm.s32 $0xC0;
	v9 =	vld.idx.msk [tilespmem:v1+s13+$0x0], $0xffff;
	v3 =	vimm.f32 $0.0e+00;
	v6 =	vimm.f32 $0.0e+00;
	v4 =	vimm.f32 $0.0e+00  }
.LBB2_2:
0x31: {  	p0 =	sne.s32 s21, $0x7C0;
	v13 =	vld [tilespmem:s22+$0x16800];
	v8 =	vmul.f32 v10, v8;
	v6 =	vadd.f32 v10, v6;
	v10 =	vmul.f32 v12, v11  }
0x32: {  	v4 =	vadd.f32 v12, v4;
	v11 =	vld.idx.msk [tilespmem:v1+s12+$0x0], $0xffff  }
0x33: {  	s19 =	simm.s32 $0x0;
	v12 =	vld [tilespmem:s20+$0x17800];
	v5 =	vadd.f32 v8, v5;
	v2 =	vadd.f32 v10, v2;
	s20 =	smov.u32 s22  }
0x34: {  	v8 =	vld.idx.msk [tilespmem:v1+s19+$0x0], $0xffff;
	v7 =	vcvt.s32.f32 v7  }
.Ltmp0:
0x35: {  	(pc) =	sbr.rel @p0 .LBB2_2-.Ltmp0, $3  }
0x36: {  	v9 =	vmul.f32 v7, v9;
	v1 =	vmov v13;
	_ =	sdelay $0x1  }
0x37: {  	v7 =	vld [tilespmem:s20+$0x17000];
	v10 =	vcvt.s32.f32 v12;
	vm10 =	veq.s32 v12, $0x1;
	v11 =	vadd.f32 v9, v11  }
0x38: {  	s22 =	sshra.s32 s21, $0x2;
	s21 =	sadd.s32 $0x40, s21;
	v9 =	vld.idx.msk [tilespmem:v13+s13+$0x0], $0xffff;
	v12 =	vsel vm10, $0x3F800000, v0  }
0x39: {  	v13 =	vld [tilespmem:s22+$0x16800];
	_ =	sdelay $0x4  }
0x3a: {  	v14 =	vld.idx.msk [tilespmem:v1+s12+$0x0], $0xffff  }
0x3b: {  	v15 =	vld [tilespmem:s22+$0x17000]  }
0x3c: {  	v16 =	vld [tilespmem:s20+$0x17800]  }
0x3d: {  	v17 =	vld.idx.msk [tilespmem:v13+s13+$0x0], $0xffff  }
0x3e: {  	v19 =	vld [tilespmem:s22+$0x17800];
	v7 =	vcvt.s32.f32 v7  }
0x3f: {  	v8 =	vmul.f32 v10, v8;
	v18 =	vld.idx.msk [tilespmem:v13+s12+$0x0], $0xffff  }
0x40: {  	v6 =	vadd.f32 v10, v6;
	v1 =	vld.idx.msk [tilespmem:v1+s19+$0x0], $0xffff;
	v7 =	vmul.f32 v7, v9;
	v9 =	vcvt.s32.f32 v15  }
0x41: {  	v10 =	vmul.f32 v12, v11;
	v4 =	vadd.f32 v12, v4;
	v5 =	vadd.f32 v8, v5  }
0x42: {  	vm10 =	veq.s32 v16, $0x1;
	v7 =	vadd.f32 v7, v14;
	v8 =	vmul.f32 v9, v17  }
0x43: {  	v2 =	vadd.f32 v10, v2;
	v10 =	vsel vm10, $0x3F800000, v0;
	v11 =	vld.idx.msk [tilespmem:v13+s19+$0x0], $0xffff;
	v9 =	vcvt.s32.f32 v16  }
0x44: {  	vm10 =	veq.s32 v19, $0x1;
	v7 =	vmul.f32 v10, v7;
	v8 =	vadd.f32 v8, v18  }
0x45: {  	p1 =	por $0x1, $0x1;
	v4 =	vadd.f32 v10, v4;
	v10 =	vsel vm10, $0x3F800000, v0;
	v1 =	vmul.f32 v9, v1  }
.Ltmp1:
0x46: {  	v2 =	vadd.f32 v7, v2;
	v7 =	vcvt.s32.f32 v19;
	v8 =	vmul.f32 v10, v8;
	(pc) =	sbr.rel @!p1 .LBB2_10-.Ltmp1, $4  }
0x47: {  	v6 =	vadd.f32 v9, v6;
	v9 =	vadd.f32 v1, v5  }
0x48: {  	v11 =	vmul.f32 v7, v11;
	v5 =	vadd.f32 v10, v4;
	v4 =	vadd.f32 v8, v2  }
0x49: {  	s20 =	simm.s32 $0x0;
	p2 =	por $0x0, $0x0;
	v12 =	vimm.f32 $0.0e+00  }
0x4a: {  	p0 =	por $0x0, $0x0;
	s21 =	simm.s32 $0x0;
	p3 =	por $0x0, $0x0;
	v1 =	vadd.f32 v7, v6;
	v2 =	vadd.f32 v11, v9;
	v8 =	vimm.f32 $0.0e+00;
	v10 =	vmovc v5;
	v13 =	vmovc v4  }
0x4b: {  	v17 =	vld [tilespmem:s20+$0x16A00];
	_ =	sdelay $0x2  }
0x4c: {  	p3 =	por $0x1, $0x1  }
.Ltmp2:
0x4d: {  	_ = 	snop;
	(pc) =	sbr.rel @!p3 .LBB2_5-.Ltmp2, $3  }
0x4e: {  	_ =	sdelay $0x1  }
0x4f: {  	v6 =	vld [tilespmem:s20+$0x17200]  }
0x50: {  	s22 =	simm.s32 $0x10;
	p2 =	por $0x1, $0x1;
	v9 =	vld.idx.msk [tilespmem:v17+s13+$0x0], $0xffff  }
0x51: {  	_ =	sdelay $0x2  }
0x52: {  	v16 =	vld [tilespmem:s22+$0x16A00]  }
0x53: {  	v8 =	vld.idx.msk [tilespmem:v17+s12+$0x0], $0xffff  }
0x54: {  	v10 =	vld [tilespmem:s20+$0x17A00]  }
0x55: {  	p4 =	por $0x1, $0x1;
	v6 =	vcvt.s32.f32 v6  }
.Ltmp3:
0x56: {  	v7 =	vld.idx.msk [tilespmem:v17+s19+$0x0], $0xffff;
	(pc) =	sbr.rel @!p4 .LBB2_7-.Ltmp3, $3  }
0x57: {  	v9 =	vmul.f32 v6, v9;
	_ =	sdelay $0x1  }
0x58: {  	v6 =	vld [tilespmem:s22+$0x17200];
	v11 =	vcvt.s32.f32 v10;
	vm10 =	veq.s32 v10, $0x1;
	v14 =	vadd.f32 v9, v8  }
0x59: {  	s21 =	simm.s32 $0x20;
	s23 =	simm.s32 $0xC0;
	p3 =	por $0x1, $0x1;
	v12 =	vimm.f32 $0.0e+00;
	v13 =	vmovc v4;
	v10 =	vmovc v5;
	v15 =	vsel vm10, $0x3F800000, v0;
	v8 =	vimm.f32 $0.0e+00;
	v9 =	vld.idx.msk [tilespmem:v16+s13+$0x0], $0xffff  }
.LBB2_8:
0x5a: {  	p4 =	sne.s32 s23, $0x7C0;
	v17 =	vld [tilespmem:s21+$0x16A00];
	v7 =	vmul.f32 v11, v7;
	v8 =	vadd.f32 v11, v8;
	v11 =	vmul.f32 v15, v14  }
0x5b: {  	v10 =	vadd.f32 v15, v10;
	v14 =	vld.idx.msk [tilespmem:v16+s12+$0x0], $0xffff  }
0x5c: {  	v15 =	vld [tilespmem:s22+$0x17A00];
	v12 =	vadd.f32 v7, v12;
	v13 =	vadd.f32 v11, v13;
	s22 =	smov.u32 s21  }
0x5d: {  	v7 =	vld.idx.msk [tilespmem:v16+s19+$0x0], $0xffff;
	v6 =	vcvt.s32.f32 v6  }
.Ltmp4:
0x5e: {  	(pc) =	sbr.rel @p4 .LBB2_8-.Ltmp4, $3  }
0x5f: {  	v9 =	vmul.f32 v6, v9;
	v16 =	vmov v17;
	_ =	sdelay $0x1  }
0x60: {  	v6 =	vld [tilespmem:s22+$0x17200];
	v11 =	vcvt.s32.f32 v15;
	vm10 =	veq.s32 v15, $0x1;
	v14 =	vadd.f32 v9, v14  }
0x61: {  	s21 =	sshra.s32 s23, $0x2;
	s23 =	sadd.s32 $0x40, s23;
	v9 =	vld.idx.msk [tilespmem:v17+s13+$0x0], $0xffff;
	v15 =	vsel vm10, $0x3F800000, v0  }
0x62: {  	v17 =	vmov v16  }
.LBB2_10:
0x63: {  	_ = 	snop  }
0x64: {  	v16 =	vld [tilespmem:s21+$0x16A00];
	_ =	sdelay $0x1  }
0x65: {  	v18 =	vld @p2 [tilespmem:s22+$0x17A00]  }
0x66: {  	v19 =	vld.idx.msk @p2 [tilespmem:v17+s12+$0x0], $0xffff  }
0x67: {  	v17 =	vld.idx.msk @p2 [tilespmem:v17+s19+$0x0], $0xffff  }
0x68: {  	v7 =	vmul.f32 @p3 v11, v7;
	v8 =	vadd.f32 @p3 v11, v8;
	v11 =	vmul.f32 @p3 v15, v14;
	v57 =	vld [tilespmem:s21+$0x17200]  }
0x69: {  	v10 =	vadd.f32 @p3 v15, v10;
	v60 =	vld [tilespmem:s21+$0x17A00];
	v6 =	vcvt.s32.f32 @p2 v6  }
0x6a: {  	v7 =	vadd.f32 @p3 v7, v12;
	v11 =	vadd.f32 @p3 v11, v13  }
0x6b: {  	v8 =	vpsel p3, v8, v3;
	v10 =	vpsel p3, v10, v5;
	v6 =	vmul.f32 @p2 v6, v9;
	v58 =	vld.idx.msk [tilespmem:v16+s13+$0x0], $0xffff  }
0x6c: {  	v7 =	vpsel p3, v7, v3;
	v11 =	vpsel p3, v11, v4;
	v12 =	vcvt.s32.f32 @p2 v18  }
0x6d: {  	vm10 =	veq.s32 @p2 v18, $0x1;
	v14 =	vpsel p2, v17, v0;
	v9 =	vcvt.s32.f32 v57;
	v59 =	vld.idx.msk [tilespmem:v16+s12+$0x0], $0xffff  }
0x6e: {  	v61 =	vcvt.s32.f32 v60;
	v6 =	vadd.f32 @p2 v6, v19;
	v17 =	vsel @p2 vm10, $0x3F800000, v0  }
0x6f: {  	vm10 =	veq.s32 v60, $0x1;
	v12 =	vpsel p2, v12, v0;
	v17 =	vpsel p2, v17, v0;
	v16 =	vld.idx.msk [tilespmem:v16+s19+$0x0], $0xffff  }
0x70: {  	v14 =	vmul.f32 @p2 v12, v14;
	v6 =	vpsel p2, v6, v0;
	v9 =	vmul.f32 v9, v58  }
0x71: {  	v8 =	vadd.f32 @p2 v12, v8;
	v10 =	vadd.f32 @p2 v17, v10;
	v6 =	vmul.f32 @p2 v17, v6  }
.Ltmp5:
0x72: {  	v12 =	vsel vm10, $0x3F800000, v0;
	v7 =	vadd.f32 @p2 v14, v7;
	v9 =	vadd.f32 v9, v59;
	(pc) =	sbr.rel @!p1 .LBB2_11-.Ltmp5, $4  }
0x73: {  	v8 =	vpsel p2, v8, v3;
	v5 =	vpsel p2, v10, v5;
	v6 =	vadd.f32 @p2 v6, v11  }
0x74: {  	v62 =	vpsel p2, v7, v3;
	v63 =	vmul.f32 v61, v16;
	v9 =	vmul.f32 v12, v9  }
0x75: {  	v3 =	vadd.f32 v61, v8;
	v7 =	vadd.f32 v12, v5;
	v4 =	vpsel p2, v6, v4  }
0x76: {  	v5 =	vadd.f32 v63, v62;
	v6 =	vadd.f32 v9, v4;
	v4 =	vimm.f32 $0.0e+00  }
0x77: {  	v19 =	vld [tilespmem:s20+$0x16C00];
	_ =	sdelay $0x2  }
0x78: {  	p2 =	por $0x1, $0x1  }
.Ltmp6:
0x79: {  	_ = 	snop;
	(pc) =	sbr.rel @!p2 .LBB2_13-.Ltmp6, $3  }
0x7a: {  	_ =	sdelay $0x1  }
0x7b: {  	v8 =	vld [tilespmem:s20+$0x17400]  }
0x7c: {  	s21 =	simm.s32 $0x10;
	p1 =	por $0x1, $0x1;
	v11 =	vld.idx.msk [tilespmem:v19+s13+$0x0], $0xffff  }
0x7d: {  	_ =	sdelay $0x2  }
0x7e: {  	v18 =	vld [tilespmem:s21+$0x16C00]  }
0x7f: {  	v10 =	vld.idx.msk [tilespmem:v19+s12+$0x0], $0xffff  }
0x80: {  	v12 =	vld [tilespmem:s20+$0x17C00]  }
0x81: {  	s20 =	simm.s32 $0x0;
	p2 =	por $0x1, $0x1;
	v8 =	vcvt.s32.f32 v8  }
.Ltmp7:
0x82: {  	v9 =	vld.idx.msk [tilespmem:v19+s20+$0x0], $0xffff;
	(pc) =	sbr.rel @!p2 .LBB2_15-.Ltmp7, $3  }
0x83: {  	v11 =	vmul.f32 v8, v11;
	_ =	sdelay $0x1  }
0x84: {  	v8 =	vld [tilespmem:s21+$0x17400];
	v13 =	vcvt.s32.f32 v12;
	vm10 =	veq.s32 v12, $0x1;
	v16 =	vadd.f32 v11, v10  }
0x85: {  	s19 =	simm.s32 $0x20;
	s22 =	simm.s32 $0xC0;
	p0 =	por $0x1, $0x1;
	v14 =	vimm.f32 $0.0e+00;
	v15 =	vmovc v6;
	v12 =	vmovc v7;
	v17 =	vsel vm10, $0x3F800000, v0;
	v10 =	vimm.f32 $0.0e+00;
	v11 =	vld.idx.msk [tilespmem:v18+s13+$0x0], $0xffff  }
.LBB2_16:
0x86: {  	p2 =	sne.s32 s22, $0x7C0;
	v19 =	vld [tilespmem:s19+$0x16C00];
	v9 =	vmul.f32 v13, v9;
	v10 =	vadd.f32 v13, v10;
	v13 =	vmul.f32 v17, v16  }
0x87: {  	v12 =	vadd.f32 v17, v12;
	v16 =	vld.idx.msk [tilespmem:v18+s12+$0x0], $0xffff  }
0x88: {  	v17 =	vld [tilespmem:s21+$0x17C00];
	v14 =	vadd.f32 v9, v14;
	v15 =	vadd.f32 v13, v15;
	s21 =	smov.u32 s19  }
0x89: {  	v9 =	vld.idx.msk [tilespmem:v18+s20+$0x0], $0xffff;
	v8 =	vcvt.s32.f32 v8  }
.Ltmp8:
0x8a: {  	(pc) =	sbr.rel @p2 .LBB2_16-.Ltmp8, $3  }
0x8b: {  	v11 =	vmul.f32 v8, v11;
	v18 =	vmov v19;
	_ =	sdelay $0x1  }
0x8c: {  	v8 =	vld [tilespmem:s21+$0x17400];
	v13 =	vcvt.s32.f32 v17;
	vm10 =	veq.s32 v17, $0x1;
	v16 =	vadd.f32 v11, v16  }
0x8d: {  	s19 =	sshra.s32 s22, $0x2;
	s22 =	sadd.s32 $0x40, s22;
	v11 =	vld.idx.msk [tilespmem:v19+s13+$0x0], $0xffff;
	v17 =	vsel vm10, $0x3F800000, v0  }
0x8e: {  	v19 =	vmov v18;
	s20 =	smov.u32 s21  }
.LBB2_18:
0x8f: {  	_ = 	snop  }
0x90: {  	v18 =	vld [tilespmem:s19+$0x16C00];
	_ =	sdelay $0x1  }
0x91: {  	v20 =	vld @p1 [tilespmem:s20+$0x17C00]  }
0x92: {  	v21 =	vld.idx.msk @p1 [tilespmem:v19+s12+$0x0], $0xffff  }
0x93: {  	s20 =	simm.s32 @p1 $0x0;
	v60 =	vld [tilespmem:s19+$0x17C00];
	v8 =	vcvt.s32.f32 @p1 v8  }
0x94: {  	v9 =	vmul.f32 @p0 v13, v9;
	v10 =	vadd.f32 @p0 v13, v10;
	v13 =	vmul.f32 @p0 v17, v16;
	v19 =	vld.idx.msk @p1 [tilespmem:v19+s20+$0x0], $0xffff  }
0x95: {  	v12 =	vadd.f32 @p0 v17, v12;
	v8 =	vmul.f32 @p1 v8, v11;
	v11 =	vld [tilespmem:s19+$0x17400]  }
0x96: {  	v9 =	vadd.f32 @p0 v9, v14;
	v13 =	vadd.f32 @p0 v13, v15  }
0x97: {  	v10 =	vpsel p0, v10, v4;
	v12 =	vpsel p0, v12, v7;
	v58 =	vld.idx.msk [tilespmem:v18+s13+$0x0], $0xffff  }
0x98: {  	v9 =	vpsel p0, v9, v4;
	v13 =	vpsel p0, v13, v6;
	v14 =	vcvt.s32.f32 @p1 v20  }
0x99: {  	vm10 =	veq.s32 @p1 v20, $0x1;
	v61 =	vcvt.s32.f32 v60;
	v8 =	vadd.f32 @p1 v8, v21;
	v59 =	vld.idx.msk [tilespmem:v18+s12+$0x0], $0xffff  }
0x9a: {  	s31 =	simm.s32 $0x0;
	v16 =	vpsel p1, v19, v0;
	v19 =	vsel @p1 vm10, $0x3F800000, v0;
	v11 =	vcvt.s32.f32 v11  }
0x9b: {  	vm10 =	veq.s32 v60, $0x1;
	v14 =	vpsel p1, v14, v0;
	v19 =	vpsel p1, v19, v0;
	v18 =	vld.idx.msk [tilespmem:v18+s31+$0x0], $0xffff  }
0x9c: {  	v16 =	vmul.f32 @p1 v14, v16;
	v8 =	vpsel p1, v8, v0;
	v11 =	vmul.f32 v11, v58  }
0x9d: {  	p2 =	por $0x1, $0x1;
	v10 =	vadd.f32 @p1 v14, v10;
	v12 =	vadd.f32 @p1 v19, v12;
	v8 =	vmul.f32 @p1 v19, v8  }
.Ltmp9:
0x9e: {  	v14 =	vsel vm10, $0x3F800000, v0;
	v9 =	vadd.f32 @p1 v16, v9;
	v11 =	vadd.f32 v11, v59;
	(pc) =	sbr.rel @!p2 .LBB2_19-.Ltmp9, $4  }
0x9f: {  	v10 =	vpsel p1, v10, v4;
	v7 =	vpsel p1, v12, v7;
	v8 =	vadd.f32 @p1 v8, v13  }
0xa0: {  	v7 =	vadd.f32 v14, v7;
	v62 =	vmul.f32 v61, v18;
	v11 =	vmul.f32 v14, v11  }
0xa1: {  	v9 =	vpsel p1, v9, v4;
	v63 =	vpsel p1, v8, v6;
	v6 =	vadd.f32 v61, v10  }
0xa2: {  	s21 =	simm.s32 $0x0;
	p0 =	por $0x0, $0x0;
	p1 =	por $0x0, $0x0;
	v8 =	vadd.f32 v62, v9;
	v9 =	vadd.f32 v11, v63  }
0xa3: {  	v21 =	vld [tilespmem:s21+$0x16E00];
	_ =	sdelay $0x2  }
0xa4: {  	p2 =	por $0x1, $0x1  }
.Ltmp10:
0xa5: {  	_ = 	snop;
	(pc) =	sbr.rel @!p2 .LBB2_21-.Ltmp10, $3  }
0xa6: {  	_ =	sdelay $0x1  }
0xa7: {  	v10 =	vld [tilespmem:s21+$0x17600]  }
0xa8: {  	s20 =	simm.s32 $0x10;
	p0 =	por $0x1, $0x1;
	v13 =	vld.idx.msk [tilespmem:v21+s13+$0x0], $0xffff  }
0xa9: {  	_ =	sdelay $0x2  }
0xaa: {  	v20 =	vld [tilespmem:s20+$0x16E00]  }
0xab: {  	v12 =	vld.idx.msk [tilespmem:v21+s12+$0x0], $0xffff  }
0xac: {  	v14 =	vld [tilespmem:s21+$0x17E00]  }
0xad: {  	p2 =	por $0x1, $0x1;
	v10 =	vcvt.s32.f32 v10  }
.Ltmp11:
0xae: {  	v11 =	vld.idx.msk [tilespmem:v21+s3+$0x0], $0xffff;
	(pc) =	sbr.rel @!p2 .LBB2_23-.Ltmp11, $3  }
0xaf: {  	v13 =	vmul.f32 v10, v13;
	_ =	sdelay $0x1  }
0xb0: {  	v10 =	vld [tilespmem:s20+$0x17600];
	v15 =	vcvt.s32.f32 v14;
	vm10 =	veq.s32 v14, $0x1;
	v18 =	vadd.f32 v13, v12  }
0xb1: {  	s19 =	simm.s32 $0x20;
	s21 =	simm.s32 $0xC0;
	p1 =	por $0x1, $0x1;
	v16 =	vimm.f32 $0.0e+00;
	v17 =	vmovc v9;
	v14 =	vmovc v7;
	v19 =	vsel vm10, $0x3F800000, v0;
	v12 =	vimm.f32 $0.0e+00;
	v13 =	vld.idx.msk [tilespmem:v20+s13+$0x0], $0xffff  }
.LBB2_24:
0xb2: {  	p2 =	sne.s32 s21, $0x7C0;
	v21 =	vld [tilespmem:s19+$0x16E00];
	v11 =	vmul.f32 v15, v11;
	v12 =	vadd.f32 v15, v12;
	v15 =	vmul.f32 v19, v18  }
0xb3: {  	v14 =	vadd.f32 v19, v14;
	v18 =	vld.idx.msk [tilespmem:v20+s12+$0x0], $0xffff  }
0xb4: {  	v19 =	vld [tilespmem:s20+$0x17E00];
	v16 =	vadd.f32 v11, v16;
	v17 =	vadd.f32 v15, v17;
	s20 =	smov.u32 s19  }
0xb5: {  	v11 =	vld.idx.msk [tilespmem:v20+s3+$0x0], $0xffff;
	v10 =	vcvt.s32.f32 v10  }
.Ltmp12:
0xb6: {  	(pc) =	sbr.rel @p2 .LBB2_24-.Ltmp12, $3  }
0xb7: {  	v13 =	vmul.f32 v10, v13;
	v20 =	vmov v21;
	_ =	sdelay $0x1  }
0xb8: {  	v10 =	vld [tilespmem:s20+$0x17600];
	v15 =	vcvt.s32.f32 v19;
	vm10 =	veq.s32 v19, $0x1;
	v18 =	vadd.f32 v13, v18  }
0xb9: {  	s19 =	sshra.s32 s21, $0x2;
	s21 =	sadd.s32 $0x40, s21;
	v13 =	vld.idx.msk [tilespmem:v21+s13+$0x0], $0xffff;
	v19 =	vsel vm10, $0x3F800000, v0  }
0xba: {  	v21 =	vmov v20;
	s21 =	smov.u32 s20  }
.LBB2_26:
0xbb: {  	_ = 	snop  }
0xbc: {  	v20 =	vld [tilespmem:s19+$0x16E00];
	_ =	sdelay $0x1  }
0xbd: {  	v22 =	vld @p0 [tilespmem:s21+$0x17E00]  }
0xbe: {  	v23 =	vld.idx.msk @p0 [tilespmem:v21+s12+$0x0], $0xffff  }
0xbf: {  	v21 =	vld.idx.msk @p0 [tilespmem:v21+s3+$0x0], $0xffff  }
0xc0: {  	v11 =	vmul.f32 @p1 v15, v11;
	v12 =	vadd.f32 @p1 v15, v12;
	v15 =	vmul.f32 @p1 v19, v18;
	v47 =	vld [tilespmem:s19+$0x17600]  }
0xc1: {  	v14 =	vadd.f32 @p1 v19, v14;
	v49 =	vld [tilespmem:s19+$0x17E00];
	v10 =	vcvt.s32.f32 @p0 v10  }
0xc2: {  	v11 =	vadd.f32 @p1 v11, v16;
	v15 =	vadd.f32 @p1 v15, v17  }
0xc3: {  	v12 =	vpsel p1, v12, v4;
	v14 =	vpsel p1, v14, v7;
	v10 =	vmul.f32 @p0 v10, v13;
	v48 =	vld.idx.msk [tilespmem:v20+s13+$0x0], $0xffff  }
0xc4: {  	v11 =	vpsel p1, v11, v4;
	v15 =	vpsel p1, v15, v9;
	v16 =	vcvt.s32.f32 @p0 v22;
	v50 =	vld.idx.msk [tilespmem:v20+s12+$0x0], $0xffff  }
0xc5: {  	v19 =	vpsel p0, v21, v0;
	vm10 =	veq.s32 @p0 v22, $0x1;
	v13 =	vcvt.s32.f32 v47;
	v51 =	vld.idx.msk [tilespmem:v20+s3+$0x0], $0xffff  }
0xc6: {  	v52 =	vcvt.s32.f32 v49;
	v10 =	vadd.f32 @p0 v10, v23;
	v16 =	vpsel p0, v16, v0  }
0xc7: {  	v19 =	vmul.f32 @p0 v16, v19;
	v12 =	vadd.f32 @p0 v16, v12;
	v20 =	vsel @p0 vm10, $0x3F800000, v0  }
0xc8: {  	(xrf2) =	vadd.scan.msk.f32 $0xffff, v2;
	v10 =	vpsel p0, v10, v0;
	v20 =	vpsel p0, v20, v0;
	v13 =	vmul.f32 v13, v48  }
0xc9: {  	(xrf2) =	vadd.scan.msk.f32 $0xffff, v1;
	vm10 =	veq.s32 v49, $0x1;
	v2 =	vmul.f32 @p0 v20, v10;
	v11 =	vadd.f32 @p0 v19, v11  }
0xca: {  	(xrf2) =	vadd.scan.msk.f32 $0xffff, v5;
	v54 =	vsel vm10, $0x3F800000, v0;
	v53 =	vmul.f32 v52, v51;
	v1 =	vadd.f32 v13, v50  }
0xcb: {  	(xrf2) =	vadd.scan.msk.f32 $0xffff, v3;
	v10 =	vadd.f32 @p0 v20, v14;
	v2 =	vadd.f32 @p0 v2, v15;
	v11 =	vpsel p0, v11, v4  }
0xcc: {  	(xrf2) =	vadd.scan.msk.f32 $0xffff, v8;
	v3 =	vpsel p0, v12, v4;
	v55 =	vadd.f32 v53, v11;
	v1 =	vmul.f32 v54, v1  }
0xcd: {  	(xrf2) =	vadd.scan.msk.f32 $0xffff, v6;
	v3 =	vadd.f32 v52, v3;
	v2 =	vpsel p0, v2, v9  }
0xce: {  	v56 =	vpsel p0, v10, v7;
	(xrf2) =	vadd.scan.msk.f32 $0xffff, v55;
	v1 =	vadd.f32 v1, v2  }
0xcf: {  	(xrf2) =	vadd.scan.msk.f32 $0xffff, v3;
	v2 =	vadd.f32 v54, v56  }
0xd0: {  	(xrf2) =	vadd.scan.msk.f32 $0xffff, v1  }
0xd1: {  	(xrf2) =	vadd.scan.msk.f32 $0xffff, v2  }
0xd2: {  	v1, _, _ =	vpop (xrf2)  }
0xd3: {  	v2, _, _ =	vpop (xrf2);
	v1 =	vbroadcast v1, $0xF  }
0xd4: {  	v3, _, _ =	vpop (xrf2);
	v2 =	vbroadcast v2, $0xF  }
0xd5: {  	v57, _, _ =	vpop (xrf2);
	v1 =	vnsel vm1, $0x0, v1;
	v3 =	vbroadcast v3, $0xF  }
0xd6: {  	v58, _, _ =	vpop (xrf2);
	v1 =	vsel vm0, v1, v2;
	v2 =	vbroadcast v57, $0xF  }
0xd7: {  	v59, _, _ =	vpop (xrf2);
	v1 =	vsel vm2, v1, v3;
	v3 =	vbroadcast v58, $0xF  }
0xd8: {  	v60, _, _ =	vpop (xrf2);
	v1 =	vsel vm3, v1, v2;
	v2 =	vbroadcast v59, $0xF  }
0xd9: {  	v61, _, _ =	vpop (xrf2);
	v1 =	vsel vm4, v1, v3;
	v3 =	vbroadcast v60, $0xF  }
0xda: {  	v62, _, _ =	vpop (xrf2);
	v1 =	vsel vm5, v1, v2;
	v2 =	vbroadcast v61, $0xF  }
0xdb: {  	v1 =	vsel vm6, v1, v3;
	v3 =	vbroadcast v62, $0xF;
	v63, _, _ =	vpop (xrf2)  }
0xdc: {  	v1 =	vsel vm7, v1, v2;
	v2 =	vbroadcast v63, $0xF  }
0xdd: {  	v1 =	vsel vm8, v1, v3  }
0xde: {  	s18 =	sadd.s32 $0x1, s18;
	v1 =	vsel vm9, v1, v2  }
0xdf: {  	p0 =	sne.s32 s18, s10;
	[tilespmem:$0x18000] =	vst v1  }
0xe0: {  	[hbm4b:s9+s3] =	stream.linear.scatter [tilespmem:s17], [sflag:$0x1], $0x80, $0x38;
	[tilespmem:$0x18080] =	vst v63  }
.Ltmp13:
0xe1: {  	_ = 	snop;
	(pc) =	sbr.rel @p0 .LBB2_1-.Ltmp13, $4  }
.Ltmp14:
0xe2: {  	_ = 	snop;
	(pc) =	sbr.rel @!p0 .LBB2_27-.Ltmp14, $4  }
0xe3: {  	_ =	swait.ge [sflag:s11], $0x80  }
0xe4: {  	[sflag:s11] =	ssyncset.done $0x0  }
0xe5: {  	[sflag:s11] =	ssyncadd.s32 $0xFFFFFF80  }
0xe6: {  	_ = 	snop  }
.LBB2_11:
.Ltmp15:
0xe7: {  	(pc) =	sbr.rel .LBB2_18-.Ltmp15, $2  }
0xe8: {  	_ =	sdelay $0x2  }
0xe9: {  	s19 =	simm.s32 $0x0;
	v10 =	vimm.f32 $0.0e+00;
	v12 =	vmovc v7;
	v14 =	vimm.f32 $0.0e+00;
	p1 =	por $0x0, $0x0;
	v15 =	vmov v6  }
.LBB2_19:
.Ltmp16:
0xea: {  	(pc) =	sbr.rel .LBB2_26-.Ltmp16, $2  }
0xeb: {  	_ =	sdelay $0x2  }
0xec: {  	s19 =	simm.s32 $0x0;
	v12 =	vimm.f32 $0.0e+00;
	v14 =	vmovc v7;
	v16 =	vimm.f32 $0.0e+00;
	v17 =	vmov v9  }
.LBB2_5:
.Ltmp17:
0xed: {  	(pc) =	sbr.rel .LBB2_10-.Ltmp17, $2  }
0xee: {  	_ =	sdelay $0x2  }
0xef: {  	s21 =	simm.s32 $0x10;
	v8 =	vimm.f32 $0.0e+00;
	v10 =	vmovc v5;
	s22 =	simm.s32 $0x0;
	v12 =	vimm.f32 $0.0e+00;
	v13 =	vmov v4;
	p3 =	por $0x0, $0x0  }
.LBB2_13:
.Ltmp18:
0xf0: {  	(pc) =	sbr.rel .LBB2_18-.Ltmp18, $2  }
0xf1: {  	_ =	sdelay $0x2  }
0xf2: {  	s19 =	simm.s32 $0x10;
	v10 =	vimm.f32 $0.0e+00;
	v12 =	vmovc v7;
	v14 =	vimm.f32 $0.0e+00;
	v15 =	vmov v6  }
.LBB2_21:
.Ltmp19:
0xf3: {  	(pc) =	sbr.rel .LBB2_26-.Ltmp19, $2  }
0xf4: {  	_ =	sdelay $0x2  }
0xf5: {  	s19 =	simm.s32 $0x10;
	v12 =	vimm.f32 $0.0e+00;
	v14 =	vmovc v7;
	v16 =	vimm.f32 $0.0e+00;
	v17 =	vmov v9  }
.LBB2_7:
.Ltmp20:
0xf6: {  	(pc) =	sbr.rel .LBB2_10-.Ltmp20, $2  }
0xf7: {  	_ =	sdelay $0x2  }
0xf8: {  	v8 =	vimm.f32 $0.0e+00;
	v17 =	vmovc v16;
	v10 =	vmovc v5;
	v12 =	vimm.f32 $0.0e+00;
	v13 =	vmov v4  }
.LBB2_15:
.Ltmp21:
0xf9: {  	(pc) =	sbr.rel .LBB2_18-.Ltmp21, $2  }
0xfa: {  	_ =	sdelay $0x2  }
0xfb: {  	v10 =	vimm.f32 $0.0e+00;
	v19 =	vmovc v18;
	v12 =	vmovc v7;
	s20 =	simm.s32 $0x10;
	v14 =	vimm.f32 $0.0e+00;
	v15 =	vmov v6  }
.LBB2_23:
.Ltmp22:
0xfc: {  	(pc) =	sbr.rel .LBB2_26-.Ltmp22, $2  }
0xfd: {  	_ =	sdelay $0x2  }
0xfe: {  	v12 =	vimm.f32 $0.0e+00;
	v21 =	vmovc v20;
	v14 =	vmovc v7;
	s21 =	simm.s32 $0x10;
	v16 =	vimm.f32 $0.0e+00;
	v17 =	vmov v9  }
.LBB2_27:
0xff: {  	_ =	sfence.sel $0x180000  }
0x100: {  	[bflag:$0x0] =	sbarrier.arrive $0xFFFF  }
0x101: {  	p0 =	sne.s32 s1, $0x0;
	_ =	strace $0x90000047  }
0x102: {  	s0 =	sadd.s32 @!p0 $0x100000, s0;
	[bflag:$0x2] =	sbarrier.arrive $0xFFFF  }
0x103: {  	[sflag:s0] =	ssyncadd.tile.s32 @!p0 $0x1;
	_ =	shalt  }
.Lfunc_end2:
_tile_overlayer_lowered:
.L_overlay_start_2:
0x104: {  	(tag) =	ssettag $0x2  }
0x105: {  	s0 =	rddreg [dreg:$0x0];
	s2 =	stileid.u32  }
0x106: {  	s1 =	rddreg [dreg:$0x1];
	p0 =	sne.s32 s2, $0x0  }
0x107: {  	s3 =	rddreg [dreg:$0x2];
	[bflag:$0x3] =	sbarrier.arrive $0xFFFF;
	s2 =	simm.s32 @!p0 $0x1C01  }
0x108: {  	[timem:s3], [sflag:s2] =	dma.local @!p0 [hbm:s0], s1  }
0x109: {  	s0 =	simm.s32 @!p0 $0x1  }
0x10a: {  	_ =	swait.ge @!p0 [sflag:s0], s1  }
0x10b: {  	s1 =	ssub.s32 @!p0 $0x0, s1;
	[sflag:s0] =	ssyncset.done @!p0 $0x0  }
0x10c: {  	[sflag:s0] =	ssyncadd.s32 @!p0 s1  }
0x10d: {  	[bflag:$0x3] =	sbarrier.arrive $0xFFFF  }
0x10e: {  	_ =	shalt  }

</sc_bundles>
